<compile_context>
chip_gen: v7x
topology: tpu7x:2x2x1
jax: 0.10.2.dev20260603
libtpu: 0.0.44.dev20260713+nightly
codegen_flags: <defaults>
</compile_context>

<pallas_src>
import functools

import jax
import jax.numpy as jnp
from jax import lax
from jax.experimental import pallas as pl
from jax.experimental.pallas import tpu as pltpu
from jax.experimental.pallas import tpu_sc as plsc

_B = 2
_C = 64
_G = 16
_N = _G ** 3
_NB = 2048
_NBLKS = _N // _NB

_NC, _NS = 2, 16
_NW = _NC * _NS
_RPW = (_B * _N) // _NW
_LANE = 16


def _front_kernel(cs_ref, ct_ref, q_ref, p_ref, td_ref,
                  idx_out, tdr_out, rs_s, rta_s):
    j = pl.program_id(1)

    @pl.when(j == 0)
    def _():
        a = jnp.concatenate([cs_ref[0], ct_ref[0]], axis=0)
        w1 = jnp.dot(a, q_ref[...], preferred_element_type=jnp.float32)
        w1 = jnp.swapaxes(w1.reshape(6, 32, 256), 1, 2).reshape(1536, 32)
        w2 = jnp.dot(w1, p_ref[...], preferred_element_type=jnp.float32)
        w2 = jnp.swapaxes(w2.reshape(6, 256, _G), 1, 2).reshape(6, _N)
        rs3 = w2[0:3]
        rt = w2[3:6]
        rt2 = -0.5 * jnp.sum(rt * rt, axis=0, keepdims=True)
        rta_s[...] = jnp.concatenate([rt, rt2], axis=0)
        rst = jnp.swapaxes(rs3, 0, 1)
        rs_s[...] = jnp.concatenate(
            [rst, jnp.ones((_N, 1), jnp.float32)], axis=1)
        tdr_out[0] = jnp.swapaxes(td_ref[0], 0, 1)

    rs_blk = rs_s[pl.ds(j * _NB, _NB), :]
    s2 = jnp.dot(rs_blk, rta_s[...], preferred_element_type=jnp.float32)
    idx = jnp.argmax(s2, axis=1).astype(jnp.int32)
    idx_out[0] = (idx + pl.program_id(0) * _N).reshape(_NB // 128, 128)


def _gather_dots_kernel(idx_hbm, td_hbm, sd_hbm, num_hbm, asq_hbm, bsq_hbm,
                        idx_v, g_v, s_v, num_v, asq_v, bsq_v, sem):
    wid = lax.axis_index("s") * _NC + lax.axis_index("c")
    b = wid // _NS
    n0 = (wid % _NS) * _RPW
    pltpu.sync_copy(idx_hbm.at[wid], idx_v)
    pltpu.sync_copy(sd_hbm.at[b, :, pl.ds(n0, _RPW)], s_v)
    cp0 = pltpu.async_copy(td_hbm.at[idx_v.at[0]],
                           g_v.at[pl.ds(0, 128)], sem)
    cp1 = pltpu.async_copy(td_hbm.at[idx_v.at[1]],
                           g_v.at[pl.ds(128, 128)], sem)
    cp0.wait()
    cp1.wait()
    lane = lax.broadcasted_iota(jnp.int32, (_LANE,), 0)

    def grpfn(g, carry):
        z = jnp.zeros((_LANE,), jnp.float32)
        row16 = g * _LANE + lane
        nu, aa, bb = z, z, z
        for c in range(_C):
            sv = s_v[c, pl.ds(g * _LANE, _LANE)]
            gv = plsc.load_gather(g_v, [row16, jnp.full((_LANE,), c, jnp.int32)])
            nu = nu + sv * gv
            aa = aa + sv * sv
            bb = bb + gv * gv
        num_v[pl.ds(g * _LANE, _LANE)] = nu
        asq_v[pl.ds(g * _LANE, _LANE)] = aa
        bsq_v[pl.ds(g * _LANE, _LANE)] = bb
        return carry

    lax.fori_loop(0, _RPW // _LANE, grpfn, 0)
    pltpu.sync_copy(num_v, num_hbm.at[wid])
    pltpu.sync_copy(asq_v, asq_hbm.at[wid])
    pltpu.sync_copy(bsq_v, bsq_hbm.at[wid])


def _loss_kernel(num_ref, asq_ref, bsq_ref, o_ref):
    eps = jnp.float32(1e-8)
    num = num_ref[...]
    den = (jnp.maximum(jnp.sqrt(asq_ref[...]), eps) *
           jnp.maximum(jnp.sqrt(bsq_ref[...]), eps))
    o_ref[0, 0] = 1.0 - jnp.sum(num / den) / jnp.float32(_B * _N)


def kernel(source_desc, target_desc, canonical_source, canonical_target):
    f32 = jnp.float32

    p_mat = jax.image.resize(jnp.eye(32, dtype=f32), (_G, 32), method="linear")
    pt = p_mat.T
    q_yz = jnp.kron(p_mat, p_mat).T

    cs_in = canonical_source.reshape(_B, 96, 1024)
    ct_in = canonical_target.reshape(_B, 96, 1024)
    td_in = target_desc.reshape(_B, _C, _N)
    sd_in = source_desc.reshape(_B, _C, _N)
    nearest3, tdr = pl.pallas_call(
        _front_kernel,
        grid=(_B, _NBLKS),
        in_specs=[
            pl.BlockSpec((1, 96, 1024), lambda b, j: (b, 0, 0)),
            pl.BlockSpec((1, 96, 1024), lambda b, j: (b, 0, 0)),
            pl.BlockSpec((1024, 256), lambda b, j: (0, 0)),
            pl.BlockSpec((32, _G), lambda b, j: (0, 0)),
            pl.BlockSpec((1, _C, _N), lambda b, j: (b, 0, 0)),
        ],
        out_specs=[
            pl.BlockSpec((1, _NB // 128, 128), lambda b, j: (b * _NBLKS + j, 0, 0)),
            pl.BlockSpec((1, _N, _C), lambda b, j: (b, 0, 0)),
        ],
        out_shape=[
            jax.ShapeDtypeStruct((_B * _NBLKS, _NB // 128, 128), jnp.int32),
            jax.ShapeDtypeStruct((_B, _N, _C), f32),
        ],
        scratch_shapes=[
            pltpu.VMEM((_N, 4), f32),
            pltpu.VMEM((4, _N), f32),
        ],
        compiler_params=pltpu.CompilerParams(
            dimension_semantics=("parallel", "arbitrary")),
    )(cs_in, ct_in, q_yz, pt, td_in)
    idx_w = nearest3.reshape(_NW, _RPW // 128, 128)

    td_rows = tdr.reshape(_B * _N, _C)
    mesh = plsc.VectorSubcoreMesh(core_axis_name="c", subcore_axis_name="s",
                                  num_cores=_NC, num_subcores=_NS)
    sc_call = functools.partial(
        pl.kernel,
        out_type=[jax.ShapeDtypeStruct((_NW, _RPW), f32)] * 3,
        mesh=mesh,
        compiler_params=pltpu.CompilerParams(needs_layout_passes=False,
                                             use_tc_tiling_on_sc=False),
        scratch_types=[
            pltpu.VMEM((_RPW // 128, 128), jnp.int32),
            pltpu.VMEM((_RPW, _C), f32),
            pltpu.VMEM((_C, _RPW), f32),
            pltpu.VMEM((_RPW,), f32),
            pltpu.VMEM((_RPW,), f32),
            pltpu.VMEM((_RPW,), f32),
            pltpu.SemaphoreType.DMA,
        ],
    )
    num_w, asq_w, bsq_w = sc_call(_gather_dots_kernel)(idx_w, td_rows, sd_in)

    loss = pl.pallas_call(
        _loss_kernel,
        out_specs=pl.BlockSpec(memory_space=pltpu.SMEM),
        out_shape=jax.ShapeDtypeStruct((1, 1), f32),
    )(num_w.reshape(_C, 128), asq_w.reshape(_C, 128), bsq_w.reshape(_C, 128))
    return loss.reshape(())

# --- scband reference (transcript-rebuilt; emitter-appended) ---
"""Pipeline reference for scband-descriptor-contrastive-loss-45715631899326 (READ-ONLY COPY).

The authoritative reference and input builder live on the scoring server;
editing this copy changes nothing except your own understanding.
"""

import jax, jax.numpy as jnp
import numpy as np


def _interp_trilinear(x, size):
    # Matches F.interpolate(mode='trilinear', align_corners=False) == jax.image.resize linear (half-pixel)
    B, C = x.shape[0], x.shape[1]
    return jax.image.resize(x, (B, C) + tuple(size), method='trilinear')


def _cdist(a, b):
    # a: [B,N,c], b: [B,M,c] -> [B,N,M] euclidean distances (torch.cdist default p=2)
    a2 = jnp.sum(a * a, axis=-1, keepdims=True)
    b2 = jnp.sum(b * b, axis=-1, keepdims=True)
    d2 = a2 + jnp.swapaxes(b2, -1, -2) - 2.0 * jnp.einsum('bnc,bmc->bnm', a, b)
    return jnp.sqrt(jnp.maximum(d2, 0.0))


def setup_inputs(seed: int = 0) -> dict:
    key = jax.random.key(seed)
    k1, k2, k3, k4 = jax.random.split(key, 4)
    return {
        'source_desc': jax.random.normal(k1, (2, 64, 16, 16, 16), dtype=jnp.float32),
        'target_desc': jax.random.normal(k2, (2, 64, 16, 16, 16), dtype=jnp.float32),
        'canonical_source': jax.random.normal(k3, (2, 3, 32, 32, 32), dtype=jnp.float32),
        'canonical_target': jax.random.normal(k4, (2, 3, 32, 32, 32), dtype=jnp.float32),
    }


def reference(source_desc, target_desc, canonical_source, canonical_target):
    # Single stage (stage_id=0) of the multi-stage dict loop.
    B = source_desc.shape[0]
    stage_size = source_desc.shape[2:]
    rs = _interp_trilinear(canonical_source, stage_size)
    rt = _interp_trilinear(canonical_target, stage_size)
    rs = rs.reshape(B, rs.shape[1], -1).transpose(0, 2, 1)  # [B, N, c]
    rt = rt.reshape(B, rt.shape[1], -1).transpose(0, 2, 1)  # [B, N, c]
    nearest = jnp.argmin(_cdist(rs, rt), axis=-1)  # [B, N]
    sd = source_desc.reshape(B, source_desc.shape[1], -1).transpose(0, 2, 1)  # [B, N, C]
    td = target_desc.reshape(B, target_desc.shape[1], -1).transpose(0, 2, 1)  # [B, N, C]
    gathered = jnp.take_along_axis(td, nearest[..., None], axis=1)  # [B, N, C]
    eps = 1e-8
    num = jnp.sum(sd * gathered, axis=-1)
    den = jnp.maximum(jnp.linalg.norm(sd, axis=-1), eps) * jnp.maximum(jnp.linalg.norm(gathered, axis=-1), eps)
    cos = num / den
    stage_loss = 1.0 - jnp.mean(cos)
    # torch.stack(losses).mean() over one stage
    return jnp.mean(jnp.stack([stage_loss]))

if __name__ == "__main__":
    import jax
    _d = setup_inputs()
    print(jax.jit(kernel)(*tuple(_d.values())))

</pallas_src>

<mosaic_0001>
#map = affine_map<(d0, d1) -> (0, 0, 0)>
#map1 = affine_map<(d0, d1) -> (0, 0)>
module attributes {stable_mosaic.version = 14 : i64} {
  func.func @_gather_dots_kernel(%arg0: i32, %arg1: i32, %arg2: memref<32x2x128xi32, #tpu.memory_space<hbm>>, %arg3: memref<8192x64xf32, #tpu.memory_space<hbm>>, %arg4: memref<2x64x4096xf32, #tpu.memory_space<hbm>>, %arg5: memref<32x256xf32, #tpu.memory_space<hbm>>, %arg6: memref<32x256xf32, #tpu.memory_space<hbm>>, %arg7: memref<32x256xf32, #tpu.memory_space<hbm>>, %arg8: memref<2x128xi32, #tpu.memory_space<vmem>>, %arg9: memref<256x64xf32, #tpu.memory_space<vmem>>, %arg10: memref<64x256xf32, #tpu.memory_space<vmem>>, %arg11: memref<256xf32, #tpu.memory_space<vmem>>, %arg12: memref<256xf32, #tpu.memory_space<vmem>>, %arg13: memref<256xf32, #tpu.memory_space<vmem>>, %arg14: memref<!tpu.dma_semaphore, #tpu.memory_space<semaphore_mem>>) attributes {dimension_semantics = [#tpu.dimension_semantics<core_parallel>, #tpu.dimension_semantics<subcore_parallel>], iteration_bounds = array<i64: 2, 16>, scalar_prefetch = 0 : i64, scratch_operands = 7 : i64, tpu.core_type = #tpu.core_type<sc_vector_subcore>, window_params = [{transform_indices = #map}, {transform_indices = #map1}, {transform_indices = #map}, {transform_indices = #map1}, {transform_indices = #map1}, {transform_indices = #map1}]} {
    %mul3A = arith.constant 2 : i32
    %mul3A_0 = arith.muli %arg1, %mul3A : i32
    %add3A = arith.addi %mul3A_0, %arg0 : i32
    %jit3A = arith.constant 16 : i32
    %div3A = arith.divsi %add3A, %jit3A : i32
    %sign3A = arith.constant 0 : i32
    %sign3A_1 = arith.cmpi sgt, %add3A, %sign3A : i32
    %sign3A_2 = arith.extui %sign3A_1 : i1 to i32
    %sign3A_3 = arith.constant 0 : i32
    %sign3A_4 = arith.cmpi slt, %add3A, %sign3A_3 : i32
    %sign3A_5 = arith.extui %sign3A_4 : i1 to i32
    %sign3A_6 = arith.subi %sign3A_2, %sign3A_5 : i32
    %sign3A_7 = arith.constant 0 : i32
    %sign3A_8 = arith.cmpi sgt, %jit3A, %sign3A_7 : i32
    %sign3A_9 = arith.extui %sign3A_8 : i1 to i32
    %sign3A_10 = arith.constant 0 : i32
    %sign3A_11 = arith.cmpi slt, %jit3A, %sign3A_10 : i32
    %sign3A_12 = arith.extui %sign3A_11 : i1 to i32
    %sign3A_13 = arith.subi %sign3A_9, %sign3A_12 : i32
    %ne3A = arith.cmpi ne, %sign3A_6, %sign3A_13 : i32
    %rem3A = arith.remsi %add3A, %jit3A : i32
    %ne3A_14 = arith.constant 0 : i32
    %ne3A_15 = arith.cmpi ne, %rem3A, %ne3A_14 : i32
    %and3A = arith.andi %ne3A, %ne3A_15 : i1
    %sub3A = arith.constant 1 : i32
    %sub3A_16 = arith.subi %div3A, %sub3A : i32
    %select_n3A = arith.select %and3A, %sub3A_16, %div3A : i32
    %jit3A_17 = arith.constant 16 : i32
    %eq3A = arith.constant 0 : i32
    %eq3A_18 = arith.cmpi eq, %jit3A_17, %eq3A : i32
    %jit3A_19 = arith.constant 1 : i32
    %select_n3A_20 = arith.select %eq3A_18, %jit3A_19, %jit3A_17 : i32
    %rem3A_21 = arith.remsi %add3A, %select_n3A_20 : i32
    %ne3A_22 = arith.constant 0 : i32
    %ne3A_23 = arith.cmpi ne, %rem3A_21, %ne3A_22 : i32
    %lt3A = arith.constant 0 : i32
    %lt3A_24 = arith.cmpi slt, %rem3A_21, %lt3A : i32
    %lt3A_25 = arith.constant 0 : i32
    %lt3A_26 = arith.cmpi slt, %select_n3A_20, %lt3A_25 : i32
    %ne3A_27 = arith.xori %lt3A_24, %lt3A_26 : i1
    %and3A_28 = arith.andi %ne3A_27, %ne3A_23 : i1
    %add3A_29 = arith.addi %rem3A_21, %select_n3A_20 : i32
    %select_n3A_30 = arith.select %and3A_28, %add3A_29, %rem3A_21 : i32
    %mul3A_31 = arith.constant 256 : i32
    %mul3A_32 = arith.muli %select_n3A_30, %mul3A_31 : i32
    "tpu.region"() ({
      %run_scoped3A = tpu.sem_alloc : memref<!tpu.dma_semaphore, #tpu.memory_space<semaphore_mem>>
      %dma_start3A_76 = arith.constant 0 : i32
      %dma_start3A_77 = arith.constant 0 : i32
      %dma_start3A_78 = tpu.memref_slice %arg2[%add3A, %dma_start3A_76, %dma_start3A_77] : memref<32x2x128xi32, #tpu.memory_space<hbm>> -> memref<1x2x128xi32, #tpu.memory_space<hbm>>
      %dma_start3A_79 = tpu.memref_squeeze %dma_start3A_78 : memref<1x2x128xi32, #tpu.memory_space<hbm>> -> memref<2x128xi32, #tpu.memory_space<hbm>>
      %dma_start3A_80 = arith.constant 0 : i32
      %dma_start3A_81 = arith.constant 0 : i32
      %dma_start3A_82 = tpu.memref_slice %arg2[%add3A, %dma_start3A_80, %dma_start3A_81] : memref<32x2x128xi32, #tpu.memory_space<hbm>> -> memref<1x2x128xi32, #tpu.memory_space<hbm>>
      %dma_start3A_83 = tpu.memref_squeeze %dma_start3A_82 : memref<1x2x128xi32, #tpu.memory_space<hbm>> -> memref<2x128xi32, #tpu.memory_space<hbm>>
      tpu.enqueue_dma source(%dma_start3A_83 : memref<2x128xi32, #tpu.memory_space<hbm>>) target(%arg8 : memref<2x128xi32, #tpu.memory_space<vmem>>) target_semaphore(%run_scoped3A : memref<!tpu.dma_semaphore, #tpu.memory_space<semaphore_mem>>)
      %dma_wait3A_84 = arith.constant 0 : i32
      %dma_wait3A_85 = arith.constant 0 : i32
      %dma_wait3A_86 = tpu.memref_slice %arg2[%add3A, %dma_wait3A_84, %dma_wait3A_85] : memref<32x2x128xi32, #tpu.memory_space<hbm>> -> memref<1x2x128xi32, #tpu.memory_space<hbm>>
      %dma_wait3A_87 = tpu.memref_squeeze %dma_wait3A_86 : memref<1x2x128xi32, #tpu.memory_space<hbm>> -> memref<2x128xi32, #tpu.memory_space<hbm>>
      %dma_wait3A_88 = arith.constant 0 : i32
      %dma_wait3A_89 = arith.constant 0 : i32
      %dma_wait3A_90 = tpu.memref_slice %arg2[%add3A, %dma_wait3A_88, %dma_wait3A_89] : memref<32x2x128xi32, #tpu.memory_space<hbm>> -> memref<1x2x128xi32, #tpu.memory_space<hbm>>
      %dma_wait3A_91 = tpu.memref_squeeze %dma_wait3A_90 : memref<1x2x128xi32, #tpu.memory_space<hbm>> -> memref<2x128xi32, #tpu.memory_space<hbm>>
      tpu.wait_dma2 semaphore(%run_scoped3A : memref<!tpu.dma_semaphore, #tpu.memory_space<semaphore_mem>>) src(%dma_wait3A_91 : memref<2x128xi32, #tpu.memory_space<hbm>>) dst(%arg8 : memref<2x128xi32, #tpu.memory_space<vmem>>)
      tpu.yield
    }) : () -> ()
    "tpu.region"() ({
      %run_scoped3A = tpu.sem_alloc : memref<!tpu.dma_semaphore, #tpu.memory_space<semaphore_mem>>
      %dma_start3A_76 = arith.constant 0 : i32
      %dma_start3A_77 = tpu.memref_slice %arg4[%select_n3A, %dma_start3A_76, %mul3A_32] : memref<2x64x4096xf32, #tpu.memory_space<hbm>> -> memref<1x64x256xf32, #tpu.memory_space<hbm>>
      %dma_start3A_78 = tpu.memref_squeeze %dma_start3A_77 : memref<1x64x256xf32, #tpu.memory_space<hbm>> -> memref<64x256xf32, #tpu.memory_space<hbm>>
      %dma_start3A_79 = arith.constant 0 : i32
      %dma_start3A_80 = tpu.memref_slice %arg4[%select_n3A, %dma_start3A_79, %mul3A_32] : memref<2x64x4096xf32, #tpu.memory_space<hbm>> -> memref<1x64x256xf32, #tpu.memory_space<hbm>>
      %dma_start3A_81 = tpu.memref_squeeze %dma_start3A_80 : memref<1x64x256xf32, #tpu.memory_space<hbm>> -> memref<64x256xf32, #tpu.memory_space<hbm>>
      tpu.enqueue_dma source(%dma_start3A_81 : memref<64x256xf32, #tpu.memory_space<hbm>>) target(%arg10 : memref<64x256xf32, #tpu.memory_space<vmem>>) target_semaphore(%run_scoped3A : memref<!tpu.dma_semaphore, #tpu.memory_space<semaphore_mem>>)
      %dma_wait3A_82 = arith.constant 0 : i32
      %dma_wait3A_83 = tpu.memref_slice %arg4[%select_n3A, %dma_wait3A_82, %mul3A_32] : memref<2x64x4096xf32, #tpu.memory_space<hbm>> -> memref<1x64x256xf32, #tpu.memory_space<hbm>>
      %dma_wait3A_84 = tpu.memref_squeeze %dma_wait3A_83 : memref<1x64x256xf32, #tpu.memory_space<hbm>> -> memref<64x256xf32, #tpu.memory_space<hbm>>
      %dma_wait3A_85 = arith.constant 0 : i32
      %dma_wait3A_86 = tpu.memref_slice %arg4[%select_n3A, %dma_wait3A_85, %mul3A_32] : memref<2x64x4096xf32, #tpu.memory_space<hbm>> -> memref<1x64x256xf32, #tpu.memory_space<hbm>>
      %dma_wait3A_87 = tpu.memref_squeeze %dma_wait3A_86 : memref<1x64x256xf32, #tpu.memory_space<hbm>> -> memref<64x256xf32, #tpu.memory_space<hbm>>
      tpu.wait_dma2 semaphore(%run_scoped3A : memref<!tpu.dma_semaphore, #tpu.memory_space<semaphore_mem>>) src(%dma_wait3A_87 : memref<64x256xf32, #tpu.memory_space<hbm>>) dst(%arg10 : memref<64x256xf32, #tpu.memory_space<vmem>>)
      tpu.yield
    }) : () -> ()
    %dma_start3A = arith.constant 0 : i32
    %dma_start3A_33 = arith.constant 0 : i32
    %dma_start3A_34 = arith.constant 0 : i32
    %dma_start3A_35 = tpu.memref_slice %arg9[%dma_start3A_33, %dma_start3A_34] : memref<256x64xf32, #tpu.memory_space<vmem>> -> memref<128x64xf32, #tpu.memory_space<vmem>>
    %dma_start3A_36 = arith.constant 0 : i32
    %dma_start3A_37 = tpu.memref_slice %arg8[%dma_start3A, %dma_start3A_36] : memref<2x128xi32, #tpu.memory_space<vmem>> -> memref<1x128xi32, #tpu.memory_space<vmem>>
    %dma_start3A_38 = tpu.memref_squeeze %dma_start3A_37 : memref<1x128xi32, #tpu.memory_space<vmem>> -> memref<128xi32, #tpu.memory_space<vmem>>
    %dma_start3A_39 = arith.constant 0 : i32
    %dma_start3A_40 = arith.constant 0 : i32
    %dma_start3A_41 = tpu.memref_slice %arg3[%dma_start3A_39, %dma_start3A_40] : memref<8192x64xf32, #tpu.memory_space<hbm>> -> memref<8192x64xf32, #tpu.memory_space<hbm>>
    tpu.enqueue_indirect_dma source(%dma_start3A_41 : memref<8192x64xf32, #tpu.memory_space<hbm>>) target(%dma_start3A_35 : memref<128x64xf32, #tpu.memory_space<vmem>>) offsets(%dma_start3A_38 : memref<128xi32, #tpu.memory_space<vmem>>) semaphore(%arg14 : memref<!tpu.dma_semaphore, #tpu.memory_space<semaphore_mem>>)
    %dma_start3A_42 = arith.constant 1 : i32
    %dma_start3A_43 = arith.constant 128 : i32
    %dma_start3A_44 = arith.constant 0 : i32
    %dma_start3A_45 = tpu.memref_slice %arg9[%dma_start3A_43, %dma_start3A_44] : memref<256x64xf32, #tpu.memory_space<vmem>> -> memref<128x64xf32, #tpu.memory_space<vmem>>
    %dma_start3A_46 = arith.constant 0 : i32
    %dma_start3A_47 = tpu.memref_slice %arg8[%dma_start3A_42, %dma_start3A_46] : memref<2x128xi32, #tpu.memory_space<vmem>> -> memref<1x128xi32, #tpu.memory_space<vmem>>
    %dma_start3A_48 = tpu.memref_squeeze %dma_start3A_47 : memref<1x128xi32, #tpu.memory_space<vmem>> -> memref<128xi32, #tpu.memory_space<vmem>>
    %dma_start3A_49 = arith.constant 0 : i32
    %dma_start3A_50 = arith.constant 0 : i32
    %dma_start3A_51 = tpu.memref_slice %arg3[%dma_start3A_49, %dma_start3A_50] : memref<8192x64xf32, #tpu.memory_space<hbm>> -> memref<8192x64xf32, #tpu.memory_space<hbm>>
    tpu.enqueue_indirect_dma source(%dma_start3A_51 : memref<8192x64xf32, #tpu.memory_space<hbm>>) target(%dma_start3A_45 : memref<128x64xf32, #tpu.memory_space<vmem>>) offsets(%dma_start3A_48 : memref<128xi32, #tpu.memory_space<vmem>>) semaphore(%arg14 : memref<!tpu.dma_semaphore, #tpu.memory_space<semaphore_mem>>)
    %dma_wait3A = arith.constant 0 : i32
    %dma_wait3A_52 = arith.constant 0 : i32
    %dma_wait3A_53 = arith.constant 0 : i32
    %dma_wait3A_54 = tpu.memref_slice %arg9[%dma_wait3A_52, %dma_wait3A_53] : memref<256x64xf32, #tpu.memory_space<vmem>> -> memref<128x64xf32, #tpu.memory_space<vmem>>
    %dma_wait3A_55 = arith.constant 0 : i32
    %dma_wait3A_56 = tpu.memref_slice %arg8[%dma_wait3A, %dma_wait3A_55] : memref<2x128xi32, #tpu.memory_space<vmem>> -> memref<1x128xi32, #tpu.memory_space<vmem>>
    %dma_wait3A_57 = tpu.memref_squeeze %dma_wait3A_56 : memref<1x128xi32, #tpu.memory_space<vmem>> -> memref<128xi32, #tpu.memory_space<vmem>>
    %dma_wait3A_58 = arith.constant 0 : i32
    %dma_wait3A_59 = arith.constant 0 : i32
    %dma_wait3A_60 = tpu.memref_slice %arg3[%dma_wait3A_58, %dma_wait3A_59] : memref<8192x64xf32, #tpu.memory_space<hbm>> -> memref<8192x64xf32, #tpu.memory_space<hbm>>
    tpu.wait_indirect_dma semaphore(%arg14 : memref<!tpu.dma_semaphore, #tpu.memory_space<semaphore_mem>>) src(%dma_wait3A_60 : memref<8192x64xf32, #tpu.memory_space<hbm>>) dst(%dma_wait3A_54 : memref<128x64xf32, #tpu.memory_space<vmem>>)
    %dma_wait3A_61 = arith.constant 1 : i32
    %dma_wait3A_62 = arith.constant 128 : i32
    %dma_wait3A_63 = arith.constant 0 : i32
    %dma_wait3A_64 = tpu.memref_slice %arg9[%dma_wait3A_62, %dma_wait3A_63] : memref<256x64xf32, #tpu.memory_space<vmem>> -> memref<128x64xf32, #tpu.memory_space<vmem>>
    %dma_wait3A_65 = arith.constant 0 : i32
    %dma_wait3A_66 = tpu.memref_slice %arg8[%dma_wait3A_61, %dma_wait3A_65] : memref<2x128xi32, #tpu.memory_space<vmem>> -> memref<1x128xi32, #tpu.memory_space<vmem>>
    %dma_wait3A_67 = tpu.memref_squeeze %dma_wait3A_66 : memref<1x128xi32, #tpu.memory_space<vmem>> -> memref<128xi32, #tpu.memory_space<vmem>>
    %dma_wait3A_68 = arith.constant 0 : i32
    %dma_wait3A_69 = arith.constant 0 : i32
    %dma_wait3A_70 = tpu.memref_slice %arg3[%dma_wait3A_68, %dma_wait3A_69] : memref<8192x64xf32, #tpu.memory_space<hbm>> -> memref<8192x64xf32, #tpu.memory_space<hbm>>
    tpu.wait_indirect_dma semaphore(%arg14 : memref<!tpu.dma_semaphore, #tpu.memory_space<semaphore_mem>>) src(%dma_wait3A_70 : memref<8192x64xf32, #tpu.memory_space<hbm>>) dst(%dma_wait3A_64 : memref<128x64xf32, #tpu.memory_space<vmem>>)
    %iota3A = tpu.iota {dimensions = array<i32: 0>} : vector<16xi32>
    %scan3A = arith.constant 0 : i32
    %scan3A_71 = arith.constant 0 : i32
    %scan3A_72 = arith.constant 16 : i32
    %scan3A_73 = arith.addi %scan3A_71, %scan3A_72 : i32
    %scan3A_74 = arith.constant 1 : i32
    scf.for %scan3A_76 = %scan3A_71 to %scan3A_73 step %scan3A_74  : i32 {
      %broadcast_in_dim3A = arith.constant 0.000000e+00 : f32
      %broadcast_in_dim3A_77 = vector.broadcast %broadcast_in_dim3A : f32 to vector<16xf32>
      %mul3A_78 = arith.constant 16 : i32
      %mul3A_79 = arith.muli %scan3A_76, %mul3A_78 : i32
      %add3A_80 = vector.broadcast %mul3A_79 : i32 to vector<16xi32>
      %add3A_81 = arith.addi %add3A_80, %iota3A : vector<16xi32>
      %mul3A_82 = arith.constant 16 : i32
      %mul3A_83 = arith.muli %scan3A_76, %mul3A_82 : i32
      %get3A = arith.constant 0 : i32
      %get3A_84 = arith.index_cast %get3A : i32 to index
      %get3A_85 = arith.index_cast %mul3A_83 : i32 to index
      %get3A_86 = tpu.vector_load %arg10[%get3A_84, %get3A_85] {strides = array<i32>} : memref<64x256xf32, #tpu.memory_space<vmem>>, vector<16xf32>,
      %broadcast_in_dim3A_87 = arith.constant 0 : i32
      %broadcast_in_dim3A_88 = vector.broadcast %broadcast_in_dim3A_87 : i32 to vector<16xi32>
      %gather3A = tpu.vector_load_idx %arg9[%add3A_81, %broadcast_in_dim3A_88] : memref<256x64xf32, #tpu.memory_space<vmem>>[vector<16xi32>, vector<16xi32>], vector<16xf32>,
      %mul3A_89 = arith.mulf %get3A_86, %gather3A : vector<16xf32>
      %add3A_90 = arith.addf %broadcast_in_dim3A_77, %mul3A_89 : vector<16xf32>
      %mul3A_91 = arith.mulf %get3A_86, %get3A_86 : vector<16xf32>
      %add3A_92 = arith.addf %broadcast_in_dim3A_77, %mul3A_91 : vector<16xf32>
      %mul3A_93 = arith.mulf %gather3A, %gather3A : vector<16xf32>
      %add3A_94 = arith.addf %broadcast_in_dim3A_77, %mul3A_93 : vector<16xf32>
      %mul3A_95 = arith.constant 16 : i32
      %mul3A_96 = arith.muli %scan3A_76, %mul3A_95 : i32
      %get3A_97 = arith.constant 1 : i32
      %get3A_98 = arith.index_cast %get3A_97 : i32 to index
      %get3A_99 = arith.index_cast %mul3A_96 : i32 to index
      %get3A_100 = tpu.vector_load %arg10[%get3A_98, %get3A_99] {strides = array<i32>} : memref<64x256xf32, #tpu.memory_space<vmem>>, vector<16xf32>,
      %broadcast_in_dim3A_101 = arith.constant 1 : i32
      %broadcast_in_dim3A_102 = vector.broadcast %broadcast_in_dim3A_101 : i32 to vector<16xi32>
      %gather3A_103 = tpu.vector_load_idx %arg9[%add3A_81, %broadcast_in_dim3A_102] : memref<256x64xf32, #tpu.memory_space<vmem>>[vector<16xi32>, vector<16xi32>], vector<16xf32>,
      %mul3A_104 = arith.mulf %get3A_100, %gather3A_103 : vector<16xf32>
      %add3A_105 = arith.addf %add3A_90, %mul3A_104 : vector<16xf32>
      %mul3A_106 = arith.mulf %get3A_100, %get3A_100 : vector<16xf32>
      %add3A_107 = arith.addf %add3A_92, %mul3A_106 : vector<16xf32>
      %mul3A_108 = arith.mulf %gather3A_103, %gather3A_103 : vector<16xf32>
      %add3A_109 = arith.addf %add3A_94, %mul3A_108 : vector<16xf32>
      %mul3A_110 = arith.constant 16 : i32
      %mul3A_111 = arith.muli %scan3A_76, %mul3A_110 : i32
      %get3A_112 = arith.constant 2 : i32
      %get3A_113 = arith.index_cast %get3A_112 : i32 to index
      %get3A_114 = arith.index_cast %mul3A_111 : i32 to index
      %get3A_115 = tpu.vector_load %arg10[%get3A_113, %get3A_114] {strides = array<i32>} : memref<64x256xf32, #tpu.memory_space<vmem>>, vector<16xf32>,
      %broadcast_in_dim3A_116 = arith.constant 2 : i32
      %broadcast_in_dim3A_117 = vector.broadcast %broadcast_in_dim3A_116 : i32 to vector<16xi32>
      %gather3A_118 = tpu.vector_load_idx %arg9[%add3A_81, %broadcast_in_dim3A_117] : memref<256x64xf32, #tpu.memory_space<vmem>>[vector<16xi32>, vector<16xi32>], vector<16xf32>,
      %mul3A_119 = arith.mulf %get3A_115, %gather3A_118 : vector<16xf32>
      %add3A_120 = arith.addf %add3A_105, %mul3A_119 : vector<16xf32>
      %mul3A_121 = arith.mulf %get3A_115, %get3A_115 : vector<16xf32>
      %add3A_122 = arith.addf %add3A_107, %mul3A_121 : vector<16xf32>
      %mul3A_123 = arith.mulf %gather3A_118, %gather3A_118 : vector<16xf32>
      %add3A_124 = arith.addf %add3A_109, %mul3A_123 : vector<16xf32>
      %mul3A_125 = arith.constant 16 : i32
      %mul3A_126 = arith.muli %scan3A_76, %mul3A_125 : i32
      %get3A_127 = arith.constant 3 : i32
      %get3A_128 = arith.index_cast %get3A_127 : i32 to index
      %get3A_129 = arith.index_cast %mul3A_126 : i32 to index
      %get3A_130 = tpu.vector_load %arg10[%get3A_128, %get3A_129] {strides = array<i32>} : memref<64x256xf32, #tpu.memory_space<vmem>>, vector<16xf32>,
      %broadcast_in_dim3A_131 = arith.constant 3 : i32
      %broadcast_in_dim3A_132 = vector.broadcast %broadcast_in_dim3A_131 : i32 to vector<16xi32>
      %gather3A_133 = tpu.vector_load_idx %arg9[%add3A_81, %broadcast_in_dim3A_132] : memref<256x64xf32, #tpu.memory_space<vmem>>[vector<16xi32>, vector<16xi32>], vector<16xf32>,
      %mul3A_134 = arith.mulf %get3A_130, %gather3A_133 : vector<16xf32>
      %add3A_135 = arith.addf %add3A_120, %mul3A_134 : vector<16xf32>
      %mul3A_136 = arith.mulf %get3A_130, %get3A_130 : vector<16xf32>
      %add3A_137 = arith.addf %add3A_122, %mul3A_136 : vector<16xf32>
      %mul3A_138 = arith.mulf %gather3A_133, %gather3A_133 : vector<16xf32>
      %add3A_139 = arith.addf %add3A_124, %mul3A_138 : vector<16xf32>
      %mul3A_140 = arith.constant 16 : i32
      %mul3A_141 = arith.muli %scan3A_76, %mul3A_140 : i32
      %get3A_142 = arith.constant 4 : i32
      %get3A_143 = arith.index_cast %get3A_142 : i32 to index
      %get3A_144 = arith.index_cast %mul3A_141 : i32 to index
      %get3A_145 = tpu.vector_load %arg10[%get3A_143, %get3A_144] {strides = array<i32>} : memref<64x256xf32, #tpu.memory_space<vmem>>, vector<16xf32>,
      %broadcast_in_dim3A_146 = arith.constant 4 : i32
      %broadcast_in_dim3A_147 = vector.broadcast %broadcast_in_dim3A_146 : i32 to vector<16xi32>
      %gather3A_148 = tpu.vector_load_idx %arg9[%add3A_81, %broadcast_in_dim3A_147] : memref<256x64xf32, #tpu.memory_space<vmem>>[vector<16xi32>, vector<16xi32>], vector<16xf32>,
      %mul3A_149 = arith.mulf %get3A_145, %gather3A_148 : vector<16xf32>
      %add3A_150 = arith.addf %add3A_135, %mul3A_149 : vector<16xf32>
      %mul3A_151 = arith.mulf %get3A_145, %get3A_145 : vector<16xf32>
      %add3A_152 = arith.addf %add3A_137, %mul3A_151 : vector<16xf32>
      %mul3A_153 = arith.mulf %gather3A_148, %gather3A_148 : vector<16xf32>
      %add3A_154 = arith.addf %add3A_139, %mul3A_153 : vector<16xf32>
      %mul3A_155 = arith.constant 16 : i32
      %mul3A_156 = arith.muli %scan3A_76, %mul3A_155 : i32
      %get3A_157 = arith.constant 5 : i32
      %get3A_158 = arith.index_cast %get3A_157 : i32 to index
      %get3A_159 = arith.index_cast %mul3A_156 : i32 to index
      %get3A_160 = tpu.vector_load %arg10[%get3A_158, %get3A_159] {strides = array<i32>} : memref<64x256xf32, #tpu.memory_space<vmem>>, vector<16xf32>,
      %broadcast_in_dim3A_161 = arith.constant 5 : i32
      %broadcast_in_dim3A_162 = vector.broadcast %broadcast_in_dim3A_161 : i32 to vector<16xi32>
      %gather3A_163 = tpu.vector_load_idx %arg9[%add3A_81, %broadcast_in_dim3A_162] : memref<256x64xf32, #tpu.memory_space<vmem>>[vector<16xi32>, vector<16xi32>], vector<16xf32>,
      %mul3A_164 = arith.mulf %get3A_160, %gather3A_163 : vector<16xf32>
      %add3A_165 = arith.addf %add3A_150, %mul3A_164 : vector<16xf32>
      %mul3A_166 = arith.mulf %get3A_160, %get3A_160 : vector<16xf32>
      %add3A_167 = arith.addf %add3A_152, %mul3A_166 : vector<16xf32>
      %mul3A_168 = arith.mulf %gather3A_163, %gather3A_163 : vector<16xf32>
      %add3A_169 = arith.addf %add3A_154, %mul3A_168 : vector<16xf32>
      %mul3A_170 = arith.constant 16 : i32
      %mul3A_171 = arith.muli %scan3A_76, %mul3A_170 : i32
      %get3A_172 = arith.constant 6 : i32
      %get3A_173 = arith.index_cast %get3A_172 : i32 to index
      %get3A_174 = arith.index_cast %mul3A_171 : i32 to index
      %get3A_175 = tpu.vector_load %arg10[%get3A_173, %get3A_174] {strides = array<i32>} : memref<64x256xf32, #tpu.memory_space<vmem>>, vector<16xf32>,
      %broadcast_in_dim3A_176 = arith.constant 6 : i32
      %broadcast_in_dim3A_177 = vector.broadcast %broadcast_in_dim3A_176 : i32 to vector<16xi32>
      %gather3A_178 = tpu.vector_load_idx %arg9[%add3A_81, %broadcast_in_dim3A_177] : memref<256x64xf32, #tpu.memory_space<vmem>>[vector<16xi32>, vector<16xi32>], vector<16xf32>,
      %mul3A_179 = arith.mulf %get3A_175, %gather3A_178 : vector<16xf32>
      %add3A_180 = arith.addf %add3A_165, %mul3A_179 : vector<16xf32>
      %mul3A_181 = arith.mulf %get3A_175, %get3A_175 : vector<16xf32>
      %add3A_182 = arith.addf %add3A_167, %mul3A_181 : vector<16xf32>
      %mul3A_183 = arith.mulf %gather3A_178, %gather3A_178 : vector<16xf32>
      %add3A_184 = arith.addf %add3A_169, %mul3A_183 : vector<16xf32>
      %mul3A_185 = arith.constant 16 : i32
      %mul3A_186 = arith.muli %scan3A_76, %mul3A_185 : i32
      %get3A_187 = arith.constant 7 : i32
      %get3A_188 = arith.index_cast %get3A_187 : i32 to index
      %get3A_189 = arith.index_cast %mul3A_186 : i32 to index
      %get3A_190 = tpu.vector_load %arg10[%get3A_188, %get3A_189] {strides = array<i32>} : memref<64x256xf32, #tpu.memory_space<vmem>>, vector<16xf32>,
      %broadcast_in_dim3A_191 = arith.constant 7 : i32
      %broadcast_in_dim3A_192 = vector.broadcast %broadcast_in_dim3A_191 : i32 to vector<16xi32>
      %gather3A_193 = tpu.vector_load_idx %arg9[%add3A_81, %broadcast_in_dim3A_192] : memref<256x64xf32, #tpu.memory_space<vmem>>[vector<16xi32>, vector<16xi32>], vector<16xf32>,
      %mul3A_194 = arith.mulf %get3A_190, %gather3A_193 : vector<16xf32>
      %add3A_195 = arith.addf %add3A_180, %mul3A_194 : vector<16xf32>
      %mul3A_196 = arith.mulf %get3A_190, %get3A_190 : vector<16xf32>
      %add3A_197 = arith.addf %add3A_182, %mul3A_196 : vector<16xf32>
      %mul3A_198 = arith.mulf %gather3A_193, %gather3A_193 : vector<16xf32>
      %add3A_199 = arith.addf %add3A_184, %mul3A_198 : vector<16xf32>
      %mul3A_200 = arith.constant 16 : i32
      %mul3A_201 = arith.muli %scan3A_76, %mul3A_200 : i32
      %get3A_202 = arith.constant 8 : i32
      %get3A_203 = arith.index_cast %get3A_202 : i32 to index
      %get3A_204 = arith.index_cast %mul3A_201 : i32 to index
      %get3A_205 = tpu.vector_load %arg10[%get3A_203, %get3A_204] {strides = array<i32>} : memref<64x256xf32, #tpu.memory_space<vmem>>, vector<16xf32>,
      %broadcast_in_dim3A_206 = arith.constant 8 : i32
      %broadcast_in_dim3A_207 = vector.broadcast %broadcast_in_dim3A_206 : i32 to vector<16xi32>
      %gather3A_208 = tpu.vector_load_idx %arg9[%add3A_81, %broadcast_in_dim3A_207] : memref<256x64xf32, #tpu.memory_space<vmem>>[vector<16xi32>, vector<16xi32>], vector<16xf32>,
      %mul3A_209 = arith.mulf %get3A_205, %gather3A_208 : vector<16xf32>
      %add3A_210 = arith.addf %add3A_195, %mul3A_209 : vector<16xf32>
      %mul3A_211 = arith.mulf %get3A_205, %get3A_205 : vector<16xf32>
      %add3A_212 = arith.addf %add3A_197, %mul3A_211 : vector<16xf32>
      %mul3A_213 = arith.mulf %gather3A_208, %gather3A_208 : vector<16xf32>
      %add3A_214 = arith.addf %add3A_199, %mul3A_213 : vector<16xf32>
      %mul3A_215 = arith.constant 16 : i32
      %mul3A_216 = arith.muli %scan3A_76, %mul3A_215 : i32
      %get3A_217 = arith.constant 9 : i32
      %get3A_218 = arith.index_cast %get3A_217 : i32 to index
      %get3A_219 = arith.index_cast %mul3A_216 : i32 to index
      %get3A_220 = tpu.vector_load %arg10[%get3A_218, %get3A_219] {strides = array<i32>} : memref<64x256xf32, #tpu.memory_space<vmem>>, vector<16xf32>,
      %broadcast_in_dim3A_221 = arith.constant 9 : i32
      %broadcast_in_dim3A_222 = vector.broadcast %broadcast_in_dim3A_221 : i32 to vector<16xi32>
      %gather3A_223 = tpu.vector_load_idx %arg9[%add3A_81, %broadcast_in_dim3A_222] : memref<256x64xf32, #tpu.memory_space<vmem>>[vector<16xi32>, vector<16xi32>], vector<16xf32>,
      %mul3A_224 = arith.mulf %get3A_220, %gather3A_223 : vector<16xf32>
      %add3A_225 = arith.addf %add3A_210, %mul3A_224 : vector<16xf32>
      %mul3A_226 = arith.mulf %get3A_220, %get3A_220 : vector<16xf32>
      %add3A_227 = arith.addf %add3A_212, %mul3A_226 : vector<16xf32>
      %mul3A_228 = arith.mulf %gather3A_223, %gather3A_223 : vector<16xf32>
      %add3A_229 = arith.addf %add3A_214, %mul3A_228 : vector<16xf32>
      %mul3A_230 = arith.constant 16 : i32
      %mul3A_231 = arith.muli %scan3A_76, %mul3A_230 : i32
      %get3A_232 = arith.constant 10 : i32
      %get3A_233 = arith.index_cast %get3A_232 : i32 to index
      %get3A_234 = arith.index_cast %mul3A_231 : i32 to index
      %get3A_235 = tpu.vector_load %arg10[%get3A_233, %get3A_234] {strides = array<i32>} : memref<64x256xf32, #tpu.memory_space<vmem>>, vector<16xf32>,
      %broadcast_in_dim3A_236 = arith.constant 10 : i32
      %broadcast_in_dim3A_237 = vector.broadcast %broadcast_in_dim3A_236 : i32 to vector<16xi32>
      %gather3A_238 = tpu.vector_load_idx %arg9[%add3A_81, %broadcast_in_dim3A_237] : memref<256x64xf32, #tpu.memory_space<vmem>>[vector<16xi32>, vector<16xi32>], vector<16xf32>,
      %mul3A_239 = arith.mulf %get3A_235, %gather3A_238 : vector<16xf32>
      %add3A_240 = arith.addf %add3A_225, %mul3A_239 : vector<16xf32>
      %mul3A_241 = arith.mulf %get3A_235, %get3A_235 : vector<16xf32>
      %add3A_242 = arith.addf %add3A_227, %mul3A_241 : vector<16xf32>
      %mul3A_243 = arith.mulf %gather3A_238, %gather3A_238 : vector<16xf32>
      %add3A_244 = arith.addf %add3A_229, %mul3A_243 : vector<16xf32>
      %mul3A_245 = arith.constant 16 : i32
      %mul3A_246 = arith.muli %scan3A_76, %mul3A_245 : i32
      %get3A_247 = arith.constant 11 : i32
      %get3A_248 = arith.index_cast %get3A_247 : i32 to index
      %get3A_249 = arith.index_cast %mul3A_246 : i32 to index
      %get3A_250 = tpu.vector_load %arg10[%get3A_248, %get3A_249] {strides = array<i32>} : memref<64x256xf32, #tpu.memory_space<vmem>>, vector<16xf32>,
      %broadcast_in_dim3A_251 = arith.constant 11 : i32
      %broadcast_in_dim3A_252 = vector.broadcast %broadcast_in_dim3A_251 : i32 to vector<16xi32>
      %gather3A_253 = tpu.vector_load_idx %arg9[%add3A_81, %broadcast_in_dim3A_252] : memref<256x64xf32, #tpu.memory_space<vmem>>[vector<16xi32>, vector<16xi32>], vector<16xf32>,
      %mul3A_254 = arith.mulf %get3A_250, %gather3A_253 : vector<16xf32>
      %add3A_255 = arith.addf %add3A_240, %mul3A_254 : vector<16xf32>
      %mul3A_256 = arith.mulf %get3A_250, %get3A_250 : vector<16xf32>
      %add3A_257 = arith.addf %add3A_242, %mul3A_256 : vector<16xf32>
      %mul3A_258 = arith.mulf %gather3A_253, %gather3A_253 : vector<16xf32>
      %add3A_259 = arith.addf %add3A_244, %mul3A_258 : vector<16xf32>
      %mul3A_260 = arith.constant 16 : i32
      %mul3A_261 = arith.muli %scan3A_76, %mul3A_260 : i32
      %get3A_262 = arith.constant 12 : i32
      %get3A_263 = arith.index_cast %get3A_262 : i32 to index
      %get3A_264 = arith.index_cast %mul3A_261 : i32 to index
      %get3A_265 = tpu.vector_load %arg10[%get3A_263, %get3A_264] {strides = array<i32>} : memref<64x256xf32, #tpu.memory_space<vmem>>, vector<16xf32>,
      %broadcast_in_dim3A_266 = arith.constant 12 : i32
      %broadcast_in_dim3A_267 = vector.broadcast %broadcast_in_dim3A_266 : i32 to vector<16xi32>
      %gather3A_268 = tpu.vector_load_idx %arg9[%add3A_81, %broadcast_in_dim3A_267] : memref<256x64xf32, #tpu.memory_space<vmem>>[vector<16xi32>, vector<16xi32>], vector<16xf32>,
      %mul3A_269 = arith.mulf %get3A_265, %gather3A_268 : vector<16xf32>
      %add3A_270 = arith.addf %add3A_255, %mul3A_269 : vector<16xf32>
      %mul3A_271 = arith.mulf %get3A_265, %get3A_265 : vector<16xf32>
      %add3A_272 = arith.addf %add3A_257, %mul3A_271 : vector<16xf32>
      %mul3A_273 = arith.mulf %gather3A_268, %gather3A_268 : vector<16xf32>
      %add3A_274 = arith.addf %add3A_259, %mul3A_273 : vector<16xf32>
      %mul3A_275 = arith.constant 16 : i32
      %mul3A_276 = arith.muli %scan3A_76, %mul3A_275 : i32
      %get3A_277 = arith.constant 13 : i32
      %get3A_278 = arith.index_cast %get3A_277 : i32 to index
      %get3A_279 = arith.index_cast %mul3A_276 : i32 to index
      %get3A_280 = tpu.vector_load %arg10[%get3A_278, %get3A_279] {strides = array<i32>} : memref<64x256xf32, #tpu.memory_space<vmem>>, vector<16xf32>,
      %broadcast_in_dim3A_281 = arith.constant 13 : i32
      %broadcast_in_dim3A_282 = vector.broadcast %broadcast_in_dim3A_281 : i32 to vector<16xi32>
      %gather3A_283 = tpu.vector_load_idx %arg9[%add3A_81, %broadcast_in_dim3A_282] : memref<256x64xf32, #tpu.memory_space<vmem>>[vector<16xi32>, vector<16xi32>], vector<16xf32>,
      %mul3A_284 = arith.mulf %get3A_280, %gather3A_283 : vector<16xf32>
      %add3A_285 = arith.addf %add3A_270, %mul3A_284 : vector<16xf32>
      %mul3A_286 = arith.mulf %get3A_280, %get3A_280 : vector<16xf32>
      %add3A_287 = arith.addf %add3A_272, %mul3A_286 : vector<16xf32>
      %mul3A_288 = arith.mulf %gather3A_283, %gather3A_283 : vector<16xf32>
      %add3A_289 = arith.addf %add3A_274, %mul3A_288 : vector<16xf32>
      %mul3A_290 = arith.constant 16 : i32
      %mul3A_291 = arith.muli %scan3A_76, %mul3A_290 : i32
      %get3A_292 = arith.constant 14 : i32
      %get3A_293 = arith.index_cast %get3A_292 : i32 to index
      %get3A_294 = arith.index_cast %mul3A_291 : i32 to index
      %get3A_295 = tpu.vector_load %arg10[%get3A_293, %get3A_294] {strides = array<i32>} : memref<64x256xf32, #tpu.memory_space<vmem>>, vector<16xf32>,
      %broadcast_in_dim3A_296 = arith.constant 14 : i32
      %broadcast_in_dim3A_297 = vector.broadcast %broadcast_in_dim3A_296 : i32 to vector<16xi32>
      %gather3A_298 = tpu.vector_load_idx %arg9[%add3A_81, %broadcast_in_dim3A_297] : memref<256x64xf32, #tpu.memory_space<vmem>>[vector<16xi32>, vector<16xi32>], vector<16xf32>,
      %mul3A_299 = arith.mulf %get3A_295, %gather3A_298 : vector<16xf32>
      %add3A_300 = arith.addf %add3A_285, %mul3A_299 : vector<16xf32>
      %mul3A_301 = arith.mulf %get3A_295, %get3A_295 : vector<16xf32>
      %add3A_302 = arith.addf %add3A_287, %mul3A_301 : vector<16xf32>
      %mul3A_303 = arith.mulf %gather3A_298, %gather3A_298 : vector<16xf32>
      %add3A_304 = arith.addf %add3A_289, %mul3A_303 : vector<16xf32>
      %mul3A_305 = arith.constant 16 : i32
      %mul3A_306 = arith.muli %scan3A_76, %mul3A_305 : i32
      %get3A_307 = arith.constant 15 : i32
      %get3A_308 = arith.index_cast %get3A_307 : i32 to index
      %get3A_309 = arith.index_cast %mul3A_306 : i32 to index
      %get3A_310 = tpu.vector_load %arg10[%get3A_308, %get3A_309] {strides = array<i32>} : memref<64x256xf32, #tpu.memory_space<vmem>>, vector<16xf32>,
      %broadcast_in_dim3A_311 = arith.constant 15 : i32
      %broadcast_in_dim3A_312 = vector.broadcast %broadcast_in_dim3A_311 : i32 to vector<16xi32>
      %gather3A_313 = tpu.vector_load_idx %arg9[%add3A_81, %broadcast_in_dim3A_312] : memref<256x64xf32, #tpu.memory_space<vmem>>[vector<16xi32>, vector<16xi32>], vector<16xf32>,
      %mul3A_314 = arith.mulf %get3A_310, %gather3A_313 : vector<16xf32>
      %add3A_315 = arith.addf %add3A_300, %mul3A_314 : vector<16xf32>
      %mul3A_316 = arith.mulf %get3A_310, %get3A_310 : vector<16xf32>
      %add3A_317 = arith.addf %add3A_302, %mul3A_316 : vector<16xf32>
      %mul3A_318 = arith.mulf %gather3A_313, %gather3A_313 : vector<16xf32>
      %add3A_319 = arith.addf %add3A_304, %mul3A_318 : vector<16xf32>
      %mul3A_320 = arith.constant 16 : i32
      %mul3A_321 = arith.muli %scan3A_76, %mul3A_320 : i32
      %get3A_322 = arith.constant 16 : i32
      %get3A_323 = arith.index_cast %get3A_322 : i32 to index
      %get3A_324 = arith.index_cast %mul3A_321 : i32 to index
      %get3A_325 = tpu.vector_load %arg10[%get3A_323, %get3A_324] {strides = array<i32>} : memref<64x256xf32, #tpu.memory_space<vmem>>, vector<16xf32>,
      %broadcast_in_dim3A_326 = arith.constant 16 : i32
      %broadcast_in_dim3A_327 = vector.broadcast %broadcast_in_dim3A_326 : i32 to vector<16xi32>
      %gather3A_328 = tpu.vector_load_idx %arg9[%add3A_81, %broadcast_in_dim3A_327] : memref<256x64xf32, #tpu.memory_space<vmem>>[vector<16xi32>, vector<16xi32>], vector<16xf32>,
      %mul3A_329 = arith.mulf %get3A_325, %gather3A_328 : vector<16xf32>
      %add3A_330 = arith.addf %add3A_315, %mul3A_329 : vector<16xf32>
      %mul3A_331 = arith.mulf %get3A_325, %get3A_325 : vector<16xf32>
      %add3A_332 = arith.addf %add3A_317, %mul3A_331 : vector<16xf32>
      %mul3A_333 = arith.mulf %gather3A_328, %gather3A_328 : vector<16xf32>
      %add3A_334 = arith.addf %add3A_319, %mul3A_333 : vector<16xf32>
      %mul3A_335 = arith.constant 16 : i32
      %mul3A_336 = arith.muli %scan3A_76, %mul3A_335 : i32
      %get3A_337 = arith.constant 17 : i32
      %get3A_338 = arith.index_cast %get3A_337 : i32 to index
      %get3A_339 = arith.index_cast %mul3A_336 : i32 to index
      %get3A_340 = tpu.vector_load %arg10[%get3A_338, %get3A_339] {strides = array<i32>} : memref<64x256xf32, #tpu.memory_space<vmem>>, vector<16xf32>,
      %broadcast_in_dim3A_341 = arith.constant 17 : i32
      %broadcast_in_dim3A_342 = vector.broadcast %broadcast_in_dim3A_341 : i32 to vector<16xi32>
      %gather3A_343 = tpu.vector_load_idx %arg9[%add3A_81, %broadcast_in_dim3A_342] : memref<256x64xf32, #tpu.memory_space<vmem>>[vector<16xi32>, vector<16xi32>], vector<16xf32>,
      %mul3A_344 = arith.mulf %get3A_340, %gather3A_343 : vector<16xf32>
      %add3A_345 = arith.addf %add3A_330, %mul3A_344 : vector<16xf32>
      %mul3A_346 = arith.mulf %get3A_340, %get3A_340 : vector<16xf32>
      %add3A_347 = arith.addf %add3A_332, %mul3A_346 : vector<16xf32>
      %mul3A_348 = arith.mulf %gather3A_343, %gather3A_343 : vector<16xf32>
      %add3A_349 = arith.addf %add3A_334, %mul3A_348 : vector<16xf32>
      %mul3A_350 = arith.constant 16 : i32
      %mul3A_351 = arith.muli %scan3A_76, %mul3A_350 : i32
      %get3A_352 = arith.constant 18 : i32
      %get3A_353 = arith.index_cast %get3A_352 : i32 to index
      %get3A_354 = arith.index_cast %mul3A_351 : i32 to index
      %get3A_355 = tpu.vector_load %arg10[%get3A_353, %get3A_354] {strides = array<i32>} : memref<64x256xf32, #tpu.memory_space<vmem>>, vector<16xf32>,
      %broadcast_in_dim3A_356 = arith.constant 18 : i32
      %broadcast_in_dim3A_357 = vector.broadcast %broadcast_in_dim3A_356 : i32 to vector<16xi32>
      %gather3A_358 = tpu.vector_load_idx %arg9[%add3A_81, %broadcast_in_dim3A_357] : memref<256x64xf32, #tpu.memory_space<vmem>>[vector<16xi32>, vector<16xi32>], vector<16xf32>,
      %mul3A_359 = arith.mulf %get3A_355, %gather3A_358 : vector<16xf32>
      %add3A_360 = arith.addf %add3A_345, %mul3A_359 : vector<16xf32>
      %mul3A_361 = arith.mulf %get3A_355, %get3A_355 : vector<16xf32>
      %add3A_362 = arith.addf %add3A_347, %mul3A_361 : vector<16xf32>
      %mul3A_363 = arith.mulf %gather3A_358, %gather3A_358 : vector<16xf32>
      %add3A_364 = arith.addf %add3A_349, %mul3A_363 : vector<16xf32>
      %mul3A_365 = arith.constant 16 : i32
      %mul3A_366 = arith.muli %scan3A_76, %mul3A_365 : i32
      %get3A_367 = arith.constant 19 : i32
      %get3A_368 = arith.index_cast %get3A_367 : i32 to index
      %get3A_369 = arith.index_cast %mul3A_366 : i32 to index
      %get3A_370 = tpu.vector_load %arg10[%get3A_368, %get3A_369] {strides = array<i32>} : memref<64x256xf32, #tpu.memory_space<vmem>>, vector<16xf32>,
      %broadcast_in_dim3A_371 = arith.constant 19 : i32
      %broadcast_in_dim3A_372 = vector.broadcast %broadcast_in_dim3A_371 : i32 to vector<16xi32>
      %gather3A_373 = tpu.vector_load_idx %arg9[%add3A_81, %broadcast_in_dim3A_372] : memref<256x64xf32, #tpu.memory_space<vmem>>[vector<16xi32>, vector<16xi32>], vector<16xf32>,
      %mul3A_374 = arith.mulf %get3A_370, %gather3A_373 : vector<16xf32>
      %add3A_375 = arith.addf %add3A_360, %mul3A_374 : vector<16xf32>
      %mul3A_376 = arith.mulf %get3A_370, %get3A_370 : vector<16xf32>
      %add3A_377 = arith.addf %add3A_362, %mul3A_376 : vector<16xf32>
      %mul3A_378 = arith.mulf %gather3A_373, %gather3A_373 : vector<16xf32>
      %add3A_379 = arith.addf %add3A_364, %mul3A_378 : vector<16xf32>
      %mul3A_380 = arith.constant 16 : i32
      %mul3A_381 = arith.muli %scan3A_76, %mul3A_380 : i32
      %get3A_382 = arith.constant 20 : i32
      %get3A_383 = arith.index_cast %get3A_382 : i32 to index
      %get3A_384 = arith.index_cast %mul3A_381 : i32 to index
      %get3A_385 = tpu.vector_load %arg10[%get3A_383, %get3A_384] {strides = array<i32>} : memref<64x256xf32, #tpu.memory_space<vmem>>, vector<16xf32>,
      %broadcast_in_dim3A_386 = arith.constant 20 : i32
      %broadcast_in_dim3A_387 = vector.broadcast %broadcast_in_dim3A_386 : i32 to vector<16xi32>
      %gather3A_388 = tpu.vector_load_idx %arg9[%add3A_81, %broadcast_in_dim3A_387] : memref<256x64xf32, #tpu.memory_space<vmem>>[vector<16xi32>, vector<16xi32>], vector<16xf32>,
      %mul3A_389 = arith.mulf %get3A_385, %gather3A_388 : vector<16xf32>
      %add3A_390 = arith.addf %add3A_375, %mul3A_389 : vector<16xf32>
      %mul3A_391 = arith.mulf %get3A_385, %get3A_385 : vector<16xf32>
      %add3A_392 = arith.addf %add3A_377, %mul3A_391 : vector<16xf32>
      %mul3A_393 = arith.mulf %gather3A_388, %gather3A_388 : vector<16xf32>
      %add3A_394 = arith.addf %add3A_379, %mul3A_393 : vector<16xf32>
      %mul3A_395 = arith.constant 16 : i32
      %mul3A_396 = arith.muli %scan3A_76, %mul3A_395 : i32
      %get3A_397 = arith.constant 21 : i32
      %get3A_398 = arith.index_cast %get3A_397 : i32 to index
      %get3A_399 = arith.index_cast %mul3A_396 : i32 to index
      %get3A_400 = tpu.vector_load %arg10[%get3A_398, %get3A_399] {strides = array<i32>} : memref<64x256xf32, #tpu.memory_space<vmem>>, vector<16xf32>,
      %broadcast_in_dim3A_401 = arith.constant 21 : i32
      %broadcast_in_dim3A_402 = vector.broadcast %broadcast_in_dim3A_401 : i32 to vector<16xi32>
      %gather3A_403 = tpu.vector_load_idx %arg9[%add3A_81, %broadcast_in_dim3A_402] : memref<256x64xf32, #tpu.memory_space<vmem>>[vector<16xi32>, vector<16xi32>], vector<16xf32>,
      %mul3A_404 = arith.mulf %get3A_400, %gather3A_403 : vector<16xf32>
      %add3A_405 = arith.addf %add3A_390, %mul3A_404 : vector<16xf32>
      %mul3A_406 = arith.mulf %get3A_400, %get3A_400 : vector<16xf32>
      %add3A_407 = arith.addf %add3A_392, %mul3A_406 : vector<16xf32>
      %mul3A_408 = arith.mulf %gather3A_403, %gather3A_403 : vector<16xf32>
      %add3A_409 = arith.addf %add3A_394, %mul3A_408 : vector<16xf32>
      %mul3A_410 = arith.constant 16 : i32
      %mul3A_411 = arith.muli %scan3A_76, %mul3A_410 : i32
      %get3A_412 = arith.constant 22 : i32
      %get3A_413 = arith.index_cast %get3A_412 : i32 to index
      %get3A_414 = arith.index_cast %mul3A_411 : i32 to index
      %get3A_415 = tpu.vector_load %arg10[%get3A_413, %get3A_414] {strides = array<i32>} : memref<64x256xf32, #tpu.memory_space<vmem>>, vector<16xf32>,
      %broadcast_in_dim3A_416 = arith.constant 22 : i32
      %broadcast_in_dim3A_417 = vector.broadcast %broadcast_in_dim3A_416 : i32 to vector<16xi32>
      %gather3A_418 = tpu.vector_load_idx %arg9[%add3A_81, %broadcast_in_dim3A_417] : memref<256x64xf32, #tpu.memory_space<vmem>>[vector<16xi32>, vector<16xi32>], vector<16xf32>,
      %mul3A_419 = arith.mulf %get3A_415, %gather3A_418 : vector<16xf32>
      %add3A_420 = arith.addf %add3A_405, %mul3A_419 : vector<16xf32>
      %mul3A_421 = arith.mulf %get3A_415, %get3A_415 : vector<16xf32>
      %add3A_422 = arith.addf %add3A_407, %mul3A_421 : vector<16xf32>
      %mul3A_423 = arith.mulf %gather3A_418, %gather3A_418 : vector<16xf32>
      %add3A_424 = arith.addf %add3A_409, %mul3A_423 : vector<16xf32>
      %mul3A_425 = arith.constant 16 : i32
      %mul3A_426 = arith.muli %scan3A_76, %mul3A_425 : i32
      %get3A_427 = arith.constant 23 : i32
      %get3A_428 = arith.index_cast %get3A_427 : i32 to index
      %get3A_429 = arith.index_cast %mul3A_426 : i32 to index
      %get3A_430 = tpu.vector_load %arg10[%get3A_428, %get3A_429] {strides = array<i32>} : memref<64x256xf32, #tpu.memory_space<vmem>>, vector<16xf32>,
      %broadcast_in_dim3A_431 = arith.constant 23 : i32
      %broadcast_in_dim3A_432 = vector.broadcast %broadcast_in_dim3A_431 : i32 to vector<16xi32>
      %gather3A_433 = tpu.vector_load_idx %arg9[%add3A_81, %broadcast_in_dim3A_432] : memref<256x64xf32, #tpu.memory_space<vmem>>[vector<16xi32>, vector<16xi32>], vector<16xf32>,
      %mul3A_434 = arith.mulf %get3A_430, %gather3A_433 : vector<16xf32>
      %add3A_435 = arith.addf %add3A_420, %mul3A_434 : vector<16xf32>
      %mul3A_436 = arith.mulf %get3A_430, %get3A_430 : vector<16xf32>
      %add3A_437 = arith.addf %add3A_422, %mul3A_436 : vector<16xf32>
      %mul3A_438 = arith.mulf %gather3A_433, %gather3A_433 : vector<16xf32>
      %add3A_439 = arith.addf %add3A_424, %mul3A_438 : vector<16xf32>
      %mul3A_440 = arith.constant 16 : i32
      %mul3A_441 = arith.muli %scan3A_76, %mul3A_440 : i32
      %get3A_442 = arith.constant 24 : i32
      %get3A_443 = arith.index_cast %get3A_442 : i32 to index
      %get3A_444 = arith.index_cast %mul3A_441 : i32 to index
      %get3A_445 = tpu.vector_load %arg10[%get3A_443, %get3A_444] {strides = array<i32>} : memref<64x256xf32, #tpu.memory_space<vmem>>, vector<16xf32>,
      %broadcast_in_dim3A_446 = arith.constant 24 : i32
      %broadcast_in_dim3A_447 = vector.broadcast %broadcast_in_dim3A_446 : i32 to vector<16xi32>
      %gather3A_448 = tpu.vector_load_idx %arg9[%add3A_81, %broadcast_in_dim3A_447] : memref<256x64xf32, #tpu.memory_space<vmem>>[vector<16xi32>, vector<16xi32>], vector<16xf32>,
      %mul3A_449 = arith.mulf %get3A_445, %gather3A_448 : vector<16xf32>
      %add3A_450 = arith.addf %add3A_435, %mul3A_449 : vector<16xf32>
      %mul3A_451 = arith.mulf %get3A_445, %get3A_445 : vector<16xf32>
      %add3A_452 = arith.addf %add3A_437, %mul3A_451 : vector<16xf32>
      %mul3A_453 = arith.mulf %gather3A_448, %gather3A_448 : vector<16xf32>
      %add3A_454 = arith.addf %add3A_439, %mul3A_453 : vector<16xf32>
      %mul3A_455 = arith.constant 16 : i32
      %mul3A_456 = arith.muli %scan3A_76, %mul3A_455 : i32
      %get3A_457 = arith.constant 25 : i32
      %get3A_458 = arith.index_cast %get3A_457 : i32 to index
      %get3A_459 = arith.index_cast %mul3A_456 : i32 to index
      %get3A_460 = tpu.vector_load %arg10[%get3A_458, %get3A_459] {strides = array<i32>} : memref<64x256xf32, #tpu.memory_space<vmem>>, vector<16xf32>,
      %broadcast_in_dim3A_461 = arith.constant 25 : i32
      %broadcast_in_dim3A_462 = vector.broadcast %broadcast_in_dim3A_461 : i32 to vector<16xi32>
      %gather3A_463 = tpu.vector_load_idx %arg9[%add3A_81, %broadcast_in_dim3A_462] : memref<256x64xf32, #tpu.memory_space<vmem>>[vector<16xi32>, vector<16xi32>], vector<16xf32>,
      %mul3A_464 = arith.mulf %get3A_460, %gather3A_463 : vector<16xf32>
      %add3A_465 = arith.addf %add3A_450, %mul3A_464 : vector<16xf32>
      %mul3A_466 = arith.mulf %get3A_460, %get3A_460 : vector<16xf32>
      %add3A_467 = arith.addf %add3A_452, %mul3A_466 : vector<16xf32>
      %mul3A_468 = arith.mulf %gather3A_463, %gather3A_463 : vector<16xf32>
      %add3A_469 = arith.addf %add3A_454, %mul3A_468 : vector<16xf32>
      %mul3A_470 = arith.constant 16 : i32
      %mul3A_471 = arith.muli %scan3A_76, %mul3A_470 : i32
      %get3A_472 = arith.constant 26 : i32
      %get3A_473 = arith.index_cast %get3A_472 : i32 to index
      %get3A_474 = arith.index_cast %mul3A_471 : i32 to index
      %get3A_475 = tpu.vector_load %arg10[%get3A_473, %get3A_474] {strides = array<i32>} : memref<64x256xf32, #tpu.memory_space<vmem>>, vector<16xf32>,
      %broadcast_in_dim3A_476 = arith.constant 26 : i32
      %broadcast_in_dim3A_477 = vector.broadcast %broadcast_in_dim3A_476 : i32 to vector<16xi32>
      %gather3A_478 = tpu.vector_load_idx %arg9[%add3A_81, %broadcast_in_dim3A_477] : memref<256x64xf32, #tpu.memory_space<vmem>>[vector<16xi32>, vector<16xi32>], vector<16xf32>,
      %mul3A_479 = arith.mulf %get3A_475, %gather3A_478 : vector<16xf32>
      %add3A_480 = arith.addf %add3A_465, %mul3A_479 : vector<16xf32>
      %mul3A_481 = arith.mulf %get3A_475, %get3A_475 : vector<16xf32>
      %add3A_482 = arith.addf %add3A_467, %mul3A_481 : vector<16xf32>
      %mul3A_483 = arith.mulf %gather3A_478, %gather3A_478 : vector<16xf32>
      %add3A_484 = arith.addf %add3A_469, %mul3A_483 : vector<16xf32>
      %mul3A_485 = arith.constant 16 : i32
      %mul3A_486 = arith.muli %scan3A_76, %mul3A_485 : i32
      %get3A_487 = arith.constant 27 : i32
      %get3A_488 = arith.index_cast %get3A_487 : i32 to index
      %get3A_489 = arith.index_cast %mul3A_486 : i32 to index
      %get3A_490 = tpu.vector_load %arg10[%get3A_488, %get3A_489] {strides = array<i32>} : memref<64x256xf32, #tpu.memory_space<vmem>>, vector<16xf32>,
      %broadcast_in_dim3A_491 = arith.constant 27 : i32
      %broadcast_in_dim3A_492 = vector.broadcast %broadcast_in_dim3A_491 : i32 to vector<16xi32>
      %gather3A_493 = tpu.vector_load_idx %arg9[%add3A_81, %broadcast_in_dim3A_492] : memref<256x64xf32, #tpu.memory_space<vmem>>[vector<16xi32>, vector<16xi32>], vector<16xf32>,
      %mul3A_494 = arith.mulf %get3A_490, %gather3A_493 : vector<16xf32>
      %add3A_495 = arith.addf %add3A_480, %mul3A_494 : vector<16xf32>
      %mul3A_496 = arith.mulf %get3A_490, %get3A_490 : vector<16xf32>
      %add3A_497 = arith.addf %add3A_482, %mul3A_496 : vector<16xf32>
      %mul3A_498 = arith.mulf %gather3A_493, %gather3A_493 : vector<16xf32>
      %add3A_499 = arith.addf %add3A_484, %mul3A_498 : vector<16xf32>
      %mul3A_500 = arith.constant 16 : i32
      %mul3A_501 = arith.muli %scan3A_76, %mul3A_500 : i32
      %get3A_502 = arith.constant 28 : i32
      %get3A_503 = arith.index_cast %get3A_502 : i32 to index
      %get3A_504 = arith.index_cast %mul3A_501 : i32 to index
      %get3A_505 = tpu.vector_load %arg10[%get3A_503, %get3A_504] {strides = array<i32>} : memref<64x256xf32, #tpu.memory_space<vmem>>, vector<16xf32>,
      %broadcast_in_dim3A_506 = arith.constant 28 : i32
      %broadcast_in_dim3A_507 = vector.broadcast %broadcast_in_dim3A_506 : i32 to vector<16xi32>
      %gather3A_508 = tpu.vector_load_idx %arg9[%add3A_81, %broadcast_in_dim3A_507] : memref<256x64xf32, #tpu.memory_space<vmem>>[vector<16xi32>, vector<16xi32>], vector<16xf32>,
      %mul3A_509 = arith.mulf %get3A_505, %gather3A_508 : vector<16xf32>
      %add3A_510 = arith.addf %add3A_495, %mul3A_509 : vector<16xf32>
      %mul3A_511 = arith.mulf %get3A_505, %get3A_505 : vector<16xf32>
      %add3A_512 = arith.addf %add3A_497, %mul3A_511 : vector<16xf32>
      %mul3A_513 = arith.mulf %gather3A_508, %gather3A_508 : vector<16xf32>
      %add3A_514 = arith.addf %add3A_499, %mul3A_513 : vector<16xf32>
      %mul3A_515 = arith.constant 16 : i32
      %mul3A_516 = arith.muli %scan3A_76, %mul3A_515 : i32
      %get3A_517 = arith.constant 29 : i32
      %get3A_518 = arith.index_cast %get3A_517 : i32 to index
      %get3A_519 = arith.index_cast %mul3A_516 : i32 to index
      %get3A_520 = tpu.vector_load %arg10[%get3A_518, %get3A_519] {strides = array<i32>} : memref<64x256xf32, #tpu.memory_space<vmem>>, vector<16xf32>,
      %broadcast_in_dim3A_521 = arith.constant 29 : i32
      %broadcast_in_dim3A_522 = vector.broadcast %broadcast_in_dim3A_521 : i32 to vector<16xi32>
      %gather3A_523 = tpu.vector_load_idx %arg9[%add3A_81, %broadcast_in_dim3A_522] : memref<256x64xf32, #tpu.memory_space<vmem>>[vector<16xi32>, vector<16xi32>], vector<16xf32>,
      %mul3A_524 = arith.mulf %get3A_520, %gather3A_523 : vector<16xf32>
      %add3A_525 = arith.addf %add3A_510, %mul3A_524 : vector<16xf32>
      %mul3A_526 = arith.mulf %get3A_520, %get3A_520 : vector<16xf32>
      %add3A_527 = arith.addf %add3A_512, %mul3A_526 : vector<16xf32>
      %mul3A_528 = arith.mulf %gather3A_523, %gather3A_523 : vector<16xf32>
      %add3A_529 = arith.addf %add3A_514, %mul3A_528 : vector<16xf32>
      %mul3A_530 = arith.constant 16 : i32
      %mul3A_531 = arith.muli %scan3A_76, %mul3A_530 : i32
      %get3A_532 = arith.constant 30 : i32
      %get3A_533 = arith.index_cast %get3A_532 : i32 to index
      %get3A_534 = arith.index_cast %mul3A_531 : i32 to index
      %get3A_535 = tpu.vector_load %arg10[%get3A_533, %get3A_534] {strides = array<i32>} : memref<64x256xf32, #tpu.memory_space<vmem>>, vector<16xf32>,
      %broadcast_in_dim3A_536 = arith.constant 30 : i32
      %broadcast_in_dim3A_537 = vector.broadcast %broadcast_in_dim3A_536 : i32 to vector<16xi32>
      %gather3A_538 = tpu.vector_load_idx %arg9[%add3A_81, %broadcast_in_dim3A_537] : memref<256x64xf32, #tpu.memory_space<vmem>>[vector<16xi32>, vector<16xi32>], vector<16xf32>,
      %mul3A_539 = arith.mulf %get3A_535, %gather3A_538 : vector<16xf32>
      %add3A_540 = arith.addf %add3A_525, %mul3A_539 : vector<16xf32>
      %mul3A_541 = arith.mulf %get3A_535, %get3A_535 : vector<16xf32>
      %add3A_542 = arith.addf %add3A_527, %mul3A_541 : vector<16xf32>
      %mul3A_543 = arith.mulf %gather3A_538, %gather3A_538 : vector<16xf32>
      %add3A_544 = arith.addf %add3A_529, %mul3A_543 : vector<16xf32>
      %mul3A_545 = arith.constant 16 : i32
      %mul3A_546 = arith.muli %scan3A_76, %mul3A_545 : i32
      %get3A_547 = arith.constant 31 : i32
      %get3A_548 = arith.index_cast %get3A_547 : i32 to index
      %get3A_549 = arith.index_cast %mul3A_546 : i32 to index
      %get3A_550 = tpu.vector_load %arg10[%get3A_548, %get3A_549] {strides = array<i32>} : memref<64x256xf32, #tpu.memory_space<vmem>>, vector<16xf32>,
      %broadcast_in_dim3A_551 = arith.constant 31 : i32
      %broadcast_in_dim3A_552 = vector.broadcast %broadcast_in_dim3A_551 : i32 to vector<16xi32>
      %gather3A_553 = tpu.vector_load_idx %arg9[%add3A_81, %broadcast_in_dim3A_552] : memref<256x64xf32, #tpu.memory_space<vmem>>[vector<16xi32>, vector<16xi32>], vector<16xf32>,
      %mul3A_554 = arith.mulf %get3A_550, %gather3A_553 : vector<16xf32>
      %add3A_555 = arith.addf %add3A_540, %mul3A_554 : vector<16xf32>
      %mul3A_556 = arith.mulf %get3A_550, %get3A_550 : vector<16xf32>
      %add3A_557 = arith.addf %add3A_542, %mul3A_556 : vector<16xf32>
      %mul3A_558 = arith.mulf %gather3A_553, %gather3A_553 : vector<16xf32>
      %add3A_559 = arith.addf %add3A_544, %mul3A_558 : vector<16xf32>
      %mul3A_560 = arith.constant 16 : i32
      %mul3A_561 = arith.muli %scan3A_76, %mul3A_560 : i32
      %get3A_562 = arith.constant 32 : i32
      %get3A_563 = arith.index_cast %get3A_562 : i32 to index
      %get3A_564 = arith.index_cast %mul3A_561 : i32 to index
      %get3A_565 = tpu.vector_load %arg10[%get3A_563, %get3A_564] {strides = array<i32>} : memref<64x256xf32, #tpu.memory_space<vmem>>, vector<16xf32>,
      %broadcast_in_dim3A_566 = arith.constant 32 : i32
      %broadcast_in_dim3A_567 = vector.broadcast %broadcast_in_dim3A_566 : i32 to vector<16xi32>
      %gather3A_568 = tpu.vector_load_idx %arg9[%add3A_81, %broadcast_in_dim3A_567] : memref<256x64xf32, #tpu.memory_space<vmem>>[vector<16xi32>, vector<16xi32>], vector<16xf32>,
      %mul3A_569 = arith.mulf %get3A_565, %gather3A_568 : vector<16xf32>
      %add3A_570 = arith.addf %add3A_555, %mul3A_569 : vector<16xf32>
      %mul3A_571 = arith.mulf %get3A_565, %get3A_565 : vector<16xf32>
      %add3A_572 = arith.addf %add3A_557, %mul3A_571 : vector<16xf32>
      %mul3A_573 = arith.mulf %gather3A_568, %gather3A_568 : vector<16xf32>
      %add3A_574 = arith.addf %add3A_559, %mul3A_573 : vector<16xf32>
      %mul3A_575 = arith.constant 16 : i32
      %mul3A_576 = arith.muli %scan3A_76, %mul3A_575 : i32
      %get3A_577 = arith.constant 33 : i32
      %get3A_578 = arith.index_cast %get3A_577 : i32 to index
      %get3A_579 = arith.index_cast %mul3A_576 : i32 to index
      %get3A_580 = tpu.vector_load %arg10[%get3A_578, %get3A_579] {strides = array<i32>} : memref<64x256xf32, #tpu.memory_space<vmem>>, vector<16xf32>,
      %broadcast_in_dim3A_581 = arith.constant 33 : i32
      %broadcast_in_dim3A_582 = vector.broadcast %broadcast_in_dim3A_581 : i32 to vector<16xi32>
      %gather3A_583 = tpu.vector_load_idx %arg9[%add3A_81, %broadcast_in_dim3A_582] : memref<256x64xf32, #tpu.memory_space<vmem>>[vector<16xi32>, vector<16xi32>], vector<16xf32>,
      %mul3A_584 = arith.mulf %get3A_580, %gather3A_583 : vector<16xf32>
      %add3A_585 = arith.addf %add3A_570, %mul3A_584 : vector<16xf32>
      %mul3A_586 = arith.mulf %get3A_580, %get3A_580 : vector<16xf32>
      %add3A_587 = arith.addf %add3A_572, %mul3A_586 : vector<16xf32>
      %mul3A_588 = arith.mulf %gather3A_583, %gather3A_583 : vector<16xf32>
      %add3A_589 = arith.addf %add3A_574, %mul3A_588 : vector<16xf32>
      %mul3A_590 = arith.constant 16 : i32
      %mul3A_591 = arith.muli %scan3A_76, %mul3A_590 : i32
      %get3A_592 = arith.constant 34 : i32
      %get3A_593 = arith.index_cast %get3A_592 : i32 to index
      %get3A_594 = arith.index_cast %mul3A_591 : i32 to index
      %get3A_595 = tpu.vector_load %arg10[%get3A_593, %get3A_594] {strides = array<i32>} : memref<64x256xf32, #tpu.memory_space<vmem>>, vector<16xf32>,
      %broadcast_in_dim3A_596 = arith.constant 34 : i32
      %broadcast_in_dim3A_597 = vector.broadcast %broadcast_in_dim3A_596 : i32 to vector<16xi32>
      %gather3A_598 = tpu.vector_load_idx %arg9[%add3A_81, %broadcast_in_dim3A_597] : memref<256x64xf32, #tpu.memory_space<vmem>>[vector<16xi32>, vector<16xi32>], vector<16xf32>,
      %mul3A_599 = arith.mulf %get3A_595, %gather3A_598 : vector<16xf32>
      %add3A_600 = arith.addf %add3A_585, %mul3A_599 : vector<16xf32>
      %mul3A_601 = arith.mulf %get3A_595, %get3A_595 : vector<16xf32>
      %add3A_602 = arith.addf %add3A_587, %mul3A_601 : vector<16xf32>
      %mul3A_603 = arith.mulf %gather3A_598, %gather3A_598 : vector<16xf32>
      %add3A_604 = arith.addf %add3A_589, %mul3A_603 : vector<16xf32>
      %mul3A_605 = arith.constant 16 : i32
      %mul3A_606 = arith.muli %scan3A_76, %mul3A_605 : i32
      %get3A_607 = arith.constant 35 : i32
      %get3A_608 = arith.index_cast %get3A_607 : i32 to index
      %get3A_609 = arith.index_cast %mul3A_606 : i32 to index
      %get3A_610 = tpu.vector_load %arg10[%get3A_608, %get3A_609] {strides = array<i32>} : memref<64x256xf32, #tpu.memory_space<vmem>>, vector<16xf32>,
      %broadcast_in_dim3A_611 = arith.constant 35 : i32
      %broadcast_in_dim3A_612 = vector.broadcast %broadcast_in_dim3A_611 : i32 to vector<16xi32>
      %gather3A_613 = tpu.vector_load_idx %arg9[%add3A_81, %broadcast_in_dim3A_612] : memref<256x64xf32, #tpu.memory_space<vmem>>[vector<16xi32>, vector<16xi32>], vector<16xf32>,
      %mul3A_614 = arith.mulf %get3A_610, %gather3A_613 : vector<16xf32>
      %add3A_615 = arith.addf %add3A_600, %mul3A_614 : vector<16xf32>
      %mul3A_616 = arith.mulf %get3A_610, %get3A_610 : vector<16xf32>
      %add3A_617 = arith.addf %add3A_602, %mul3A_616 : vector<16xf32>
      %mul3A_618 = arith.mulf %gather3A_613, %gather3A_613 : vector<16xf32>
      %add3A_619 = arith.addf %add3A_604, %mul3A_618 : vector<16xf32>
      %mul3A_620 = arith.constant 16 : i32
      %mul3A_621 = arith.muli %scan3A_76, %mul3A_620 : i32
      %get3A_622 = arith.constant 36 : i32
      %get3A_623 = arith.index_cast %get3A_622 : i32 to index
      %get3A_624 = arith.index_cast %mul3A_621 : i32 to index
      %get3A_625 = tpu.vector_load %arg10[%get3A_623, %get3A_624] {strides = array<i32>} : memref<64x256xf32, #tpu.memory_space<vmem>>, vector<16xf32>,
      %broadcast_in_dim3A_626 = arith.constant 36 : i32
      %broadcast_in_dim3A_627 = vector.broadcast %broadcast_in_dim3A_626 : i32 to vector<16xi32>
      %gather3A_628 = tpu.vector_load_idx %arg9[%add3A_81, %broadcast_in_dim3A_627] : memref<256x64xf32, #tpu.memory_space<vmem>>[vector<16xi32>, vector<16xi32>], vector<16xf32>,
      %mul3A_629 = arith.mulf %get3A_625, %gather3A_628 : vector<16xf32>
      %add3A_630 = arith.addf %add3A_615, %mul3A_629 : vector<16xf32>
      %mul3A_631 = arith.mulf %get3A_625, %get3A_625 : vector<16xf32>
      %add3A_632 = arith.addf %add3A_617, %mul3A_631 : vector<16xf32>
      %mul3A_633 = arith.mulf %gather3A_628, %gather3A_628 : vector<16xf32>
      %add3A_634 = arith.addf %add3A_619, %mul3A_633 : vector<16xf32>
      %mul3A_635 = arith.constant 16 : i32
      %mul3A_636 = arith.muli %scan3A_76, %mul3A_635 : i32
      %get3A_637 = arith.constant 37 : i32
      %get3A_638 = arith.index_cast %get3A_637 : i32 to index
      %get3A_639 = arith.index_cast %mul3A_636 : i32 to index
      %get3A_640 = tpu.vector_load %arg10[%get3A_638, %get3A_639] {strides = array<i32>} : memref<64x256xf32, #tpu.memory_space<vmem>>, vector<16xf32>,
      %broadcast_in_dim3A_641 = arith.constant 37 : i32
      %broadcast_in_dim3A_642 = vector.broadcast %broadcast_in_dim3A_641 : i32 to vector<16xi32>
      %gather3A_643 = tpu.vector_load_idx %arg9[%add3A_81, %broadcast_in_dim3A_642] : memref<256x64xf32, #tpu.memory_space<vmem>>[vector<16xi32>, vector<16xi32>], vector<16xf32>,
      %mul3A_644 = arith.mulf %get3A_640, %gather3A_643 : vector<16xf32>
      %add3A_645 = arith.addf %add3A_630, %mul3A_644 : vector<16xf32>
      %mul3A_646 = arith.mulf %get3A_640, %get3A_640 : vector<16xf32>
      %add3A_647 = arith.addf %add3A_632, %mul3A_646 : vector<16xf32>
      %mul3A_648 = arith.mulf %gather3A_643, %gather3A_643 : vector<16xf32>
      %add3A_649 = arith.addf %add3A_634, %mul3A_648 : vector<16xf32>
      %mul3A_650 = arith.constant 16 : i32
      %mul3A_651 = arith.muli %scan3A_76, %mul3A_650 : i32
      %get3A_652 = arith.constant 38 : i32
      %get3A_653 = arith.index_cast %get3A_652 : i32 to index
      %get3A_654 = arith.index_cast %mul3A_651 : i32 to index
      %get3A_655 = tpu.vector_load %arg10[%get3A_653, %get3A_654] {strides = array<i32>} : memref<64x256xf32, #tpu.memory_space<vmem>>, vector<16xf32>,
      %broadcast_in_dim3A_656 = arith.constant 38 : i32
      %broadcast_in_dim3A_657 = vector.broadcast %broadcast_in_dim3A_656 : i32 to vector<16xi32>
      %gather3A_658 = tpu.vector_load_idx %arg9[%add3A_81, %broadcast_in_dim3A_657] : memref<256x64xf32, #tpu.memory_space<vmem>>[vector<16xi32>, vector<16xi32>], vector<16xf32>,
      %mul3A_659 = arith.mulf %get3A_655, %gather3A_658 : vector<16xf32>
      %add3A_660 = arith.addf %add3A_645, %mul3A_659 : vector<16xf32>
      %mul3A_661 = arith.mulf %get3A_655, %get3A_655 : vector<16xf32>
      %add3A_662 = arith.addf %add3A_647, %mul3A_661 : vector<16xf32>
      %mul3A_663 = arith.mulf %gather3A_658, %gather3A_658 : vector<16xf32>
      %add3A_664 = arith.addf %add3A_649, %mul3A_663 : vector<16xf32>
      %mul3A_665 = arith.constant 16 : i32
      %mul3A_666 = arith.muli %scan3A_76, %mul3A_665 : i32
      %get3A_667 = arith.constant 39 : i32
      %get3A_668 = arith.index_cast %get3A_667 : i32 to index
      %get3A_669 = arith.index_cast %mul3A_666 : i32 to index
      %get3A_670 = tpu.vector_load %arg10[%get3A_668, %get3A_669] {strides = array<i32>} : memref<64x256xf32, #tpu.memory_space<vmem>>, vector<16xf32>,
      %broadcast_in_dim3A_671 = arith.constant 39 : i32
      %broadcast_in_dim3A_672 = vector.broadcast %broadcast_in_dim3A_671 : i32 to vector<16xi32>
      %gather3A_673 = tpu.vector_load_idx %arg9[%add3A_81, %broadcast_in_dim3A_672] : memref<256x64xf32, #tpu.memory_space<vmem>>[vector<16xi32>, vector<16xi32>], vector<16xf32>,
      %mul3A_674 = arith.mulf %get3A_670, %gather3A_673 : vector<16xf32>
      %add3A_675 = arith.addf %add3A_660, %mul3A_674 : vector<16xf32>
      %mul3A_676 = arith.mulf %get3A_670, %get3A_670 : vector<16xf32>
      %add3A_677 = arith.addf %add3A_662, %mul3A_676 : vector<16xf32>
      %mul3A_678 = arith.mulf %gather3A_673, %gather3A_673 : vector<16xf32>
      %add3A_679 = arith.addf %add3A_664, %mul3A_678 : vector<16xf32>
      %mul3A_680 = arith.constant 16 : i32
      %mul3A_681 = arith.muli %scan3A_76, %mul3A_680 : i32
      %get3A_682 = arith.constant 40 : i32
      %get3A_683 = arith.index_cast %get3A_682 : i32 to index
      %get3A_684 = arith.index_cast %mul3A_681 : i32 to index
      %get3A_685 = tpu.vector_load %arg10[%get3A_683, %get3A_684] {strides = array<i32>} : memref<64x256xf32, #tpu.memory_space<vmem>>, vector<16xf32>,
      %broadcast_in_dim3A_686 = arith.constant 40 : i32
      %broadcast_in_dim3A_687 = vector.broadcast %broadcast_in_dim3A_686 : i32 to vector<16xi32>
      %gather3A_688 = tpu.vector_load_idx %arg9[%add3A_81, %broadcast_in_dim3A_687] : memref<256x64xf32, #tpu.memory_space<vmem>>[vector<16xi32>, vector<16xi32>], vector<16xf32>,
      %mul3A_689 = arith.mulf %get3A_685, %gather3A_688 : vector<16xf32>
      %add3A_690 = arith.addf %add3A_675, %mul3A_689 : vector<16xf32>
      %mul3A_691 = arith.mulf %get3A_685, %get3A_685 : vector<16xf32>
      %add3A_692 = arith.addf %add3A_677, %mul3A_691 : vector<16xf32>
      %mul3A_693 = arith.mulf %gather3A_688, %gather3A_688 : vector<16xf32>
      %add3A_694 = arith.addf %add3A_679, %mul3A_693 : vector<16xf32>
      %mul3A_695 = arith.constant 16 : i32
      %mul3A_696 = arith.muli %scan3A_76, %mul3A_695 : i32
      %get3A_697 = arith.constant 41 : i32
      %get3A_698 = arith.index_cast %get3A_697 : i32 to index
      %get3A_699 = arith.index_cast %mul3A_696 : i32 to index
      %get3A_700 = tpu.vector_load %arg10[%get3A_698, %get3A_699] {strides = array<i32>} : memref<64x256xf32, #tpu.memory_space<vmem>>, vector<16xf32>,
      %broadcast_in_dim3A_701 = arith.constant 41 : i32
      %broadcast_in_dim3A_702 = vector.broadcast %broadcast_in_dim3A_701 : i32 to vector<16xi32>
      %gather3A_703 = tpu.vector_load_idx %arg9[%add3A_81, %broadcast_in_dim3A_702] : memref<256x64xf32, #tpu.memory_space<vmem>>[vector<16xi32>, vector<16xi32>], vector<16xf32>,
      %mul3A_704 = arith.mulf %get3A_700, %gather3A_703 : vector<16xf32>
      %add3A_705 = arith.addf %add3A_690, %mul3A_704 : vector<16xf32>
      %mul3A_706 = arith.mulf %get3A_700, %get3A_700 : vector<16xf32>
      %add3A_707 = arith.addf %add3A_692, %mul3A_706 : vector<16xf32>
      %mul3A_708 = arith.mulf %gather3A_703, %gather3A_703 : vector<16xf32>
      %add3A_709 = arith.addf %add3A_694, %mul3A_708 : vector<16xf32>
      %mul3A_710 = arith.constant 16 : i32
      %mul3A_711 = arith.muli %scan3A_76, %mul3A_710 : i32
      %get3A_712 = arith.constant 42 : i32
      %get3A_713 = arith.index_cast %get3A_712 : i32 to index
      %get3A_714 = arith.index_cast %mul3A_711 : i32 to index
      %get3A_715 = tpu.vector_load %arg10[%get3A_713, %get3A_714] {strides = array<i32>} : memref<64x256xf32, #tpu.memory_space<vmem>>, vector<16xf32>,
      %broadcast_in_dim3A_716 = arith.constant 42 : i32
      %broadcast_in_dim3A_717 = vector.broadcast %broadcast_in_dim3A_716 : i32 to vector<16xi32>
      %gather3A_718 = tpu.vector_load_idx %arg9[%add3A_81, %broadcast_in_dim3A_717] : memref<256x64xf32, #tpu.memory_space<vmem>>[vector<16xi32>, vector<16xi32>], vector<16xf32>,
      %mul3A_719 = arith.mulf %get3A_715, %gather3A_718 : vector<16xf32>
      %add3A_720 = arith.addf %add3A_705, %mul3A_719 : vector<16xf32>
      %mul3A_721 = arith.mulf %get3A_715, %get3A_715 : vector<16xf32>
      %add3A_722 = arith.addf %add3A_707, %mul3A_721 : vector<16xf32>
      %mul3A_723 = arith.mulf %gather3A_718, %gather3A_718 : vector<16xf32>
      %add3A_724 = arith.addf %add3A_709, %mul3A_723 : vector<16xf32>
      %mul3A_725 = arith.constant 16 : i32
      %mul3A_726 = arith.muli %scan3A_76, %mul3A_725 : i32
      %get3A_727 = arith.constant 43 : i32
      %get3A_728 = arith.index_cast %get3A_727 : i32 to index
      %get3A_729 = arith.index_cast %mul3A_726 : i32 to index
      %get3A_730 = tpu.vector_load %arg10[%get3A_728, %get3A_729] {strides = array<i32>} : memref<64x256xf32, #tpu.memory_space<vmem>>, vector<16xf32>,
      %broadcast_in_dim3A_731 = arith.constant 43 : i32
      %broadcast_in_dim3A_732 = vector.broadcast %broadcast_in_dim3A_731 : i32 to vector<16xi32>
      %gather3A_733 = tpu.vector_load_idx %arg9[%add3A_81, %broadcast_in_dim3A_732] : memref<256x64xf32, #tpu.memory_space<vmem>>[vector<16xi32>, vector<16xi32>], vector<16xf32>,
      %mul3A_734 = arith.mulf %get3A_730, %gather3A_733 : vector<16xf32>
      %add3A_735 = arith.addf %add3A_720, %mul3A_734 : vector<16xf32>
      %mul3A_736 = arith.mulf %get3A_730, %get3A_730 : vector<16xf32>
      %add3A_737 = arith.addf %add3A_722, %mul3A_736 : vector<16xf32>
      %mul3A_738 = arith.mulf %gather3A_733, %gather3A_733 : vector<16xf32>
      %add3A_739 = arith.addf %add3A_724, %mul3A_738 : vector<16xf32>
      %mul3A_740 = arith.constant 16 : i32
      %mul3A_741 = arith.muli %scan3A_76, %mul3A_740 : i32
      %get3A_742 = arith.constant 44 : i32
      %get3A_743 = arith.index_cast %get3A_742 : i32 to index
      %get3A_744 = arith.index_cast %mul3A_741 : i32 to index
      %get3A_745 = tpu.vector_load %arg10[%get3A_743, %get3A_744] {strides = array<i32>} : memref<64x256xf32, #tpu.memory_space<vmem>>, vector<16xf32>,
      %broadcast_in_dim3A_746 = arith.constant 44 : i32
      %broadcast_in_dim3A_747 = vector.broadcast %broadcast_in_dim3A_746 : i32 to vector<16xi32>
      %gather3A_748 = tpu.vector_load_idx %arg9[%add3A_81, %broadcast_in_dim3A_747] : memref<256x64xf32, #tpu.memory_space<vmem>>[vector<16xi32>, vector<16xi32>], vector<16xf32>,
      %mul3A_749 = arith.mulf %get3A_745, %gather3A_748 : vector<16xf32>
      %add3A_750 = arith.addf %add3A_735, %mul3A_749 : vector<16xf32>
      %mul3A_751 = arith.mulf %get3A_745, %get3A_745 : vector<16xf32>
      %add3A_752 = arith.addf %add3A_737, %mul3A_751 : vector<16xf32>
      %mul3A_753 = arith.mulf %gather3A_748, %gather3A_748 : vector<16xf32>
      %add3A_754 = arith.addf %add3A_739, %mul3A_753 : vector<16xf32>
      %mul3A_755 = arith.constant 16 : i32
      %mul3A_756 = arith.muli %scan3A_76, %mul3A_755 : i32
      %get3A_757 = arith.constant 45 : i32
      %get3A_758 = arith.index_cast %get3A_757 : i32 to index
      %get3A_759 = arith.index_cast %mul3A_756 : i32 to index
      %get3A_760 = tpu.vector_load %arg10[%get3A_758, %get3A_759] {strides = array<i32>} : memref<64x256xf32, #tpu.memory_space<vmem>>, vector<16xf32>,
      %broadcast_in_dim3A_761 = arith.constant 45 : i32
      %broadcast_in_dim3A_762 = vector.broadcast %broadcast_in_dim3A_761 : i32 to vector<16xi32>
      %gather3A_763 = tpu.vector_load_idx %arg9[%add3A_81, %broadcast_in_dim3A_762] : memref<256x64xf32, #tpu.memory_space<vmem>>[vector<16xi32>, vector<16xi32>], vector<16xf32>,
      %mul3A_764 = arith.mulf %get3A_760, %gather3A_763 : vector<16xf32>
      %add3A_765 = arith.addf %add3A_750, %mul3A_764 : vector<16xf32>
      %mul3A_766 = arith.mulf %get3A_760, %get3A_760 : vector<16xf32>
      %add3A_767 = arith.addf %add3A_752, %mul3A_766 : vector<16xf32>
      %mul3A_768 = arith.mulf %gather3A_763, %gather3A_763 : vector<16xf32>
      %add3A_769 = arith.addf %add3A_754, %mul3A_768 : vector<16xf32>
      %mul3A_770 = arith.constant 16 : i32
      %mul3A_771 = arith.muli %scan3A_76, %mul3A_770 : i32
      %get3A_772 = arith.constant 46 : i32
      %get3A_773 = arith.index_cast %get3A_772 : i32 to index
      %get3A_774 = arith.index_cast %mul3A_771 : i32 to index
      %get3A_775 = tpu.vector_load %arg10[%get3A_773, %get3A_774] {strides = array<i32>} : memref<64x256xf32, #tpu.memory_space<vmem>>, vector<16xf32>,
      %broadcast_in_dim3A_776 = arith.constant 46 : i32
      %broadcast_in_dim3A_777 = vector.broadcast %broadcast_in_dim3A_776 : i32 to vector<16xi32>
      %gather3A_778 = tpu.vector_load_idx %arg9[%add3A_81, %broadcast_in_dim3A_777] : memref<256x64xf32, #tpu.memory_space<vmem>>[vector<16xi32>, vector<16xi32>], vector<16xf32>,
      %mul3A_779 = arith.mulf %get3A_775, %gather3A_778 : vector<16xf32>
      %add3A_780 = arith.addf %add3A_765, %mul3A_779 : vector<16xf32>
      %mul3A_781 = arith.mulf %get3A_775, %get3A_775 : vector<16xf32>
      %add3A_782 = arith.addf %add3A_767, %mul3A_781 : vector<16xf32>
      %mul3A_783 = arith.mulf %gather3A_778, %gather3A_778 : vector<16xf32>
      %add3A_784 = arith.addf %add3A_769, %mul3A_783 : vector<16xf32>
      %mul3A_785 = arith.constant 16 : i32
      %mul3A_786 = arith.muli %scan3A_76, %mul3A_785 : i32
      %get3A_787 = arith.constant 47 : i32
      %get3A_788 = arith.index_cast %get3A_787 : i32 to index
      %get3A_789 = arith.index_cast %mul3A_786 : i32 to index
      %get3A_790 = tpu.vector_load %arg10[%get3A_788, %get3A_789] {strides = array<i32>} : memref<64x256xf32, #tpu.memory_space<vmem>>, vector<16xf32>,
      %broadcast_in_dim3A_791 = arith.constant 47 : i32
      %broadcast_in_dim3A_792 = vector.broadcast %broadcast_in_dim3A_791 : i32 to vector<16xi32>
      %gather3A_793 = tpu.vector_load_idx %arg9[%add3A_81, %broadcast_in_dim3A_792] : memref<256x64xf32, #tpu.memory_space<vmem>>[vector<16xi32>, vector<16xi32>], vector<16xf32>,
      %mul3A_794 = arith.mulf %get3A_790, %gather3A_793 : vector<16xf32>
      %add3A_795 = arith.addf %add3A_780, %mul3A_794 : vector<16xf32>
      %mul3A_796 = arith.mulf %get3A_790, %get3A_790 : vector<16xf32>
      %add3A_797 = arith.addf %add3A_782, %mul3A_796 : vector<16xf32>
      %mul3A_798 = arith.mulf %gather3A_793, %gather3A_793 : vector<16xf32>
      %add3A_799 = arith.addf %add3A_784, %mul3A_798 : vector<16xf32>
      %mul3A_800 = arith.constant 16 : i32
      %mul3A_801 = arith.muli %scan3A_76, %mul3A_800 : i32
      %get3A_802 = arith.constant 48 : i32
      %get3A_803 = arith.index_cast %get3A_802 : i32 to index
      %get3A_804 = arith.index_cast %mul3A_801 : i32 to index
      %get3A_805 = tpu.vector_load %arg10[%get3A_803, %get3A_804] {strides = array<i32>} : memref<64x256xf32, #tpu.memory_space<vmem>>, vector<16xf32>,
      %broadcast_in_dim3A_806 = arith.constant 48 : i32
      %broadcast_in_dim3A_807 = vector.broadcast %broadcast_in_dim3A_806 : i32 to vector<16xi32>
      %gather3A_808 = tpu.vector_load_idx %arg9[%add3A_81, %broadcast_in_dim3A_807] : memref<256x64xf32, #tpu.memory_space<vmem>>[vector<16xi32>, vector<16xi32>], vector<16xf32>,
      %mul3A_809 = arith.mulf %get3A_805, %gather3A_808 : vector<16xf32>
      %add3A_810 = arith.addf %add3A_795, %mul3A_809 : vector<16xf32>
      %mul3A_811 = arith.mulf %get3A_805, %get3A_805 : vector<16xf32>
      %add3A_812 = arith.addf %add3A_797, %mul3A_811 : vector<16xf32>
      %mul3A_813 = arith.mulf %gather3A_808, %gather3A_808 : vector<16xf32>
      %add3A_814 = arith.addf %add3A_799, %mul3A_813 : vector<16xf32>
      %mul3A_815 = arith.constant 16 : i32
      %mul3A_816 = arith.muli %scan3A_76, %mul3A_815 : i32
      %get3A_817 = arith.constant 49 : i32
      %get3A_818 = arith.index_cast %get3A_817 : i32 to index
      %get3A_819 = arith.index_cast %mul3A_816 : i32 to index
      %get3A_820 = tpu.vector_load %arg10[%get3A_818, %get3A_819] {strides = array<i32>} : memref<64x256xf32, #tpu.memory_space<vmem>>, vector<16xf32>,
      %broadcast_in_dim3A_821 = arith.constant 49 : i32
      %broadcast_in_dim3A_822 = vector.broadcast %broadcast_in_dim3A_821 : i32 to vector<16xi32>
      %gather3A_823 = tpu.vector_load_idx %arg9[%add3A_81, %broadcast_in_dim3A_822] : memref<256x64xf32, #tpu.memory_space<vmem>>[vector<16xi32>, vector<16xi32>], vector<16xf32>,
      %mul3A_824 = arith.mulf %get3A_820, %gather3A_823 : vector<16xf32>
      %add3A_825 = arith.addf %add3A_810, %mul3A_824 : vector<16xf32>
      %mul3A_826 = arith.mulf %get3A_820, %get3A_820 : vector<16xf32>
      %add3A_827 = arith.addf %add3A_812, %mul3A_826 : vector<16xf32>
      %mul3A_828 = arith.mulf %gather3A_823, %gather3A_823 : vector<16xf32>
      %add3A_829 = arith.addf %add3A_814, %mul3A_828 : vector<16xf32>
      %mul3A_830 = arith.constant 16 : i32
      %mul3A_831 = arith.muli %scan3A_76, %mul3A_830 : i32
      %get3A_832 = arith.constant 50 : i32
      %get3A_833 = arith.index_cast %get3A_832 : i32 to index
      %get3A_834 = arith.index_cast %mul3A_831 : i32 to index
      %get3A_835 = tpu.vector_load %arg10[%get3A_833, %get3A_834] {strides = array<i32>} : memref<64x256xf32, #tpu.memory_space<vmem>>, vector<16xf32>,
      %broadcast_in_dim3A_836 = arith.constant 50 : i32
      %broadcast_in_dim3A_837 = vector.broadcast %broadcast_in_dim3A_836 : i32 to vector<16xi32>
      %gather3A_838 = tpu.vector_load_idx %arg9[%add3A_81, %broadcast_in_dim3A_837] : memref<256x64xf32, #tpu.memory_space<vmem>>[vector<16xi32>, vector<16xi32>], vector<16xf32>,
      %mul3A_839 = arith.mulf %get3A_835, %gather3A_838 : vector<16xf32>
      %add3A_840 = arith.addf %add3A_825, %mul3A_839 : vector<16xf32>
      %mul3A_841 = arith.mulf %get3A_835, %get3A_835 : vector<16xf32>
      %add3A_842 = arith.addf %add3A_827, %mul3A_841 : vector<16xf32>
      %mul3A_843 = arith.mulf %gather3A_838, %gather3A_838 : vector<16xf32>
      %add3A_844 = arith.addf %add3A_829, %mul3A_843 : vector<16xf32>
      %mul3A_845 = arith.constant 16 : i32
      %mul3A_846 = arith.muli %scan3A_76, %mul3A_845 : i32
      %get3A_847 = arith.constant 51 : i32
      %get3A_848 = arith.index_cast %get3A_847 : i32 to index
      %get3A_849 = arith.index_cast %mul3A_846 : i32 to index
      %get3A_850 = tpu.vector_load %arg10[%get3A_848, %get3A_849] {strides = array<i32>} : memref<64x256xf32, #tpu.memory_space<vmem>>, vector<16xf32>,
      %broadcast_in_dim3A_851 = arith.constant 51 : i32
      %broadcast_in_dim3A_852 = vector.broadcast %broadcast_in_dim3A_851 : i32 to vector<16xi32>
      %gather3A_853 = tpu.vector_load_idx %arg9[%add3A_81, %broadcast_in_dim3A_852] : memref<256x64xf32, #tpu.memory_space<vmem>>[vector<16xi32>, vector<16xi32>], vector<16xf32>,
      %mul3A_854 = arith.mulf %get3A_850, %gather3A_853 : vector<16xf32>
      %add3A_855 = arith.addf %add3A_840, %mul3A_854 : vector<16xf32>
      %mul3A_856 = arith.mulf %get3A_850, %get3A_850 : vector<16xf32>
      %add3A_857 = arith.addf %add3A_842, %mul3A_856 : vector<16xf32>
      %mul3A_858 = arith.mulf %gather3A_853, %gather3A_853 : vector<16xf32>
      %add3A_859 = arith.addf %add3A_844, %mul3A_858 : vector<16xf32>
      %mul3A_860 = arith.constant 16 : i32
      %mul3A_861 = arith.muli %scan3A_76, %mul3A_860 : i32
      %get3A_862 = arith.constant 52 : i32
      %get3A_863 = arith.index_cast %get3A_862 : i32 to index
      %get3A_864 = arith.index_cast %mul3A_861 : i32 to index
      %get3A_865 = tpu.vector_load %arg10[%get3A_863, %get3A_864] {strides = array<i32>} : memref<64x256xf32, #tpu.memory_space<vmem>>, vector<16xf32>,
      %broadcast_in_dim3A_866 = arith.constant 52 : i32
      %broadcast_in_dim3A_867 = vector.broadcast %broadcast_in_dim3A_866 : i32 to vector<16xi32>
      %gather3A_868 = tpu.vector_load_idx %arg9[%add3A_81, %broadcast_in_dim3A_867] : memref<256x64xf32, #tpu.memory_space<vmem>>[vector<16xi32>, vector<16xi32>], vector<16xf32>,
      %mul3A_869 = arith.mulf %get3A_865, %gather3A_868 : vector<16xf32>
      %add3A_870 = arith.addf %add3A_855, %mul3A_869 : vector<16xf32>
      %mul3A_871 = arith.mulf %get3A_865, %get3A_865 : vector<16xf32>
      %add3A_872 = arith.addf %add3A_857, %mul3A_871 : vector<16xf32>
      %mul3A_873 = arith.mulf %gather3A_868, %gather3A_868 : vector<16xf32>
      %add3A_874 = arith.addf %add3A_859, %mul3A_873 : vector<16xf32>
      %mul3A_875 = arith.constant 16 : i32
      %mul3A_876 = arith.muli %scan3A_76, %mul3A_875 : i32
      %get3A_877 = arith.constant 53 : i32
      %get3A_878 = arith.index_cast %get3A_877 : i32 to index
      %get3A_879 = arith.index_cast %mul3A_876 : i32 to index
      %get3A_880 = tpu.vector_load %arg10[%get3A_878, %get3A_879] {strides = array<i32>} : memref<64x256xf32, #tpu.memory_space<vmem>>, vector<16xf32>,
      %broadcast_in_dim3A_881 = arith.constant 53 : i32
      %broadcast_in_dim3A_882 = vector.broadcast %broadcast_in_dim3A_881 : i32 to vector<16xi32>
      %gather3A_883 = tpu.vector_load_idx %arg9[%add3A_81, %broadcast_in_dim3A_882] : memref<256x64xf32, #tpu.memory_space<vmem>>[vector<16xi32>, vector<16xi32>], vector<16xf32>,
      %mul3A_884 = arith.mulf %get3A_880, %gather3A_883 : vector<16xf32>
      %add3A_885 = arith.addf %add3A_870, %mul3A_884 : vector<16xf32>
      %mul3A_886 = arith.mulf %get3A_880, %get3A_880 : vector<16xf32>
      %add3A_887 = arith.addf %add3A_872, %mul3A_886 : vector<16xf32>
      %mul3A_888 = arith.mulf %gather3A_883, %gather3A_883 : vector<16xf32>
      %add3A_889 = arith.addf %add3A_874, %mul3A_888 : vector<16xf32>
      %mul3A_890 = arith.constant 16 : i32
      %mul3A_891 = arith.muli %scan3A_76, %mul3A_890 : i32
      %get3A_892 = arith.constant 54 : i32
      %get3A_893 = arith.index_cast %get3A_892 : i32 to index
      %get3A_894 = arith.index_cast %mul3A_891 : i32 to index
      %get3A_895 = tpu.vector_load %arg10[%get3A_893, %get3A_894] {strides = array<i32>} : memref<64x256xf32, #tpu.memory_space<vmem>>, vector<16xf32>,
      %broadcast_in_dim3A_896 = arith.constant 54 : i32
      %broadcast_in_dim3A_897 = vector.broadcast %broadcast_in_dim3A_896 : i32 to vector<16xi32>
      %gather3A_898 = tpu.vector_load_idx %arg9[%add3A_81, %broadcast_in_dim3A_897] : memref<256x64xf32, #tpu.memory_space<vmem>>[vector<16xi32>, vector<16xi32>], vector<16xf32>,
      %mul3A_899 = arith.mulf %get3A_895, %gather3A_898 : vector<16xf32>
      %add3A_900 = arith.addf %add3A_885, %mul3A_899 : vector<16xf32>
      %mul3A_901 = arith.mulf %get3A_895, %get3A_895 : vector<16xf32>
      %add3A_902 = arith.addf %add3A_887, %mul3A_901 : vector<16xf32>
      %mul3A_903 = arith.mulf %gather3A_898, %gather3A_898 : vector<16xf32>
      %add3A_904 = arith.addf %add3A_889, %mul3A_903 : vector<16xf32>
      %mul3A_905 = arith.constant 16 : i32
      %mul3A_906 = arith.muli %scan3A_76, %mul3A_905 : i32
      %get3A_907 = arith.constant 55 : i32
      %get3A_908 = arith.index_cast %get3A_907 : i32 to index
      %get3A_909 = arith.index_cast %mul3A_906 : i32 to index
      %get3A_910 = tpu.vector_load %arg10[%get3A_908, %get3A_909] {strides = array<i32>} : memref<64x256xf32, #tpu.memory_space<vmem>>, vector<16xf32>,
      %broadcast_in_dim3A_911 = arith.constant 55 : i32
      %broadcast_in_dim3A_912 = vector.broadcast %broadcast_in_dim3A_911 : i32 to vector<16xi32>
      %gather3A_913 = tpu.vector_load_idx %arg9[%add3A_81, %broadcast_in_dim3A_912] : memref<256x64xf32, #tpu.memory_space<vmem>>[vector<16xi32>, vector<16xi32>], vector<16xf32>,
      %mul3A_914 = arith.mulf %get3A_910, %gather3A_913 : vector<16xf32>
      %add3A_915 = arith.addf %add3A_900, %mul3A_914 : vector<16xf32>
      %mul3A_916 = arith.mulf %get3A_910, %get3A_910 : vector<16xf32>
      %add3A_917 = arith.addf %add3A_902, %mul3A_916 : vector<16xf32>
      %mul3A_918 = arith.mulf %gather3A_913, %gather3A_913 : vector<16xf32>
      %add3A_919 = arith.addf %add3A_904, %mul3A_918 : vector<16xf32>
      %mul3A_920 = arith.constant 16 : i32
      %mul3A_921 = arith.muli %scan3A_76, %mul3A_920 : i32
      %get3A_922 = arith.constant 56 : i32
      %get3A_923 = arith.index_cast %get3A_922 : i32 to index
      %get3A_924 = arith.index_cast %mul3A_921 : i32 to index
      %get3A_925 = tpu.vector_load %arg10[%get3A_923, %get3A_924] {strides = array<i32>} : memref<64x256xf32, #tpu.memory_space<vmem>>, vector<16xf32>,
      %broadcast_in_dim3A_926 = arith.constant 56 : i32
      %broadcast_in_dim3A_927 = vector.broadcast %broadcast_in_dim3A_926 : i32 to vector<16xi32>
      %gather3A_928 = tpu.vector_load_idx %arg9[%add3A_81, %broadcast_in_dim3A_927] : memref<256x64xf32, #tpu.memory_space<vmem>>[vector<16xi32>, vector<16xi32>], vector<16xf32>,
      %mul3A_929 = arith.mulf %get3A_925, %gather3A_928 : vector<16xf32>
      %add3A_930 = arith.addf %add3A_915, %mul3A_929 : vector<16xf32>
      %mul3A_931 = arith.mulf %get3A_925, %get3A_925 : vector<16xf32>
      %add3A_932 = arith.addf %add3A_917, %mul3A_931 : vector<16xf32>
      %mul3A_933 = arith.mulf %gather3A_928, %gather3A_928 : vector<16xf32>
      %add3A_934 = arith.addf %add3A_919, %mul3A_933 : vector<16xf32>
      %mul3A_935 = arith.constant 16 : i32
      %mul3A_936 = arith.muli %scan3A_76, %mul3A_935 : i32
      %get3A_937 = arith.constant 57 : i32
      %get3A_938 = arith.index_cast %get3A_937 : i32 to index
      %get3A_939 = arith.index_cast %mul3A_936 : i32 to index
      %get3A_940 = tpu.vector_load %arg10[%get3A_938, %get3A_939] {strides = array<i32>} : memref<64x256xf32, #tpu.memory_space<vmem>>, vector<16xf32>,
      %broadcast_in_dim3A_941 = arith.constant 57 : i32
      %broadcast_in_dim3A_942 = vector.broadcast %broadcast_in_dim3A_941 : i32 to vector<16xi32>
      %gather3A_943 = tpu.vector_load_idx %arg9[%add3A_81, %broadcast_in_dim3A_942] : memref<256x64xf32, #tpu.memory_space<vmem>>[vector<16xi32>, vector<16xi32>], vector<16xf32>,
      %mul3A_944 = arith.mulf %get3A_940, %gather3A_943 : vector<16xf32>
      %add3A_945 = arith.addf %add3A_930, %mul3A_944 : vector<16xf32>
      %mul3A_946 = arith.mulf %get3A_940, %get3A_940 : vector<16xf32>
      %add3A_947 = arith.addf %add3A_932, %mul3A_946 : vector<16xf32>
      %mul3A_948 = arith.mulf %gather3A_943, %gather3A_943 : vector<16xf32>
      %add3A_949 = arith.addf %add3A_934, %mul3A_948 : vector<16xf32>
      %mul3A_950 = arith.constant 16 : i32
      %mul3A_951 = arith.muli %scan3A_76, %mul3A_950 : i32
      %get3A_952 = arith.constant 58 : i32
      %get3A_953 = arith.index_cast %get3A_952 : i32 to index
      %get3A_954 = arith.index_cast %mul3A_951 : i32 to index
      %get3A_955 = tpu.vector_load %arg10[%get3A_953, %get3A_954] {strides = array<i32>} : memref<64x256xf32, #tpu.memory_space<vmem>>, vector<16xf32>,
      %broadcast_in_dim3A_956 = arith.constant 58 : i32
      %broadcast_in_dim3A_957 = vector.broadcast %broadcast_in_dim3A_956 : i32 to vector<16xi32>
      %gather3A_958 = tpu.vector_load_idx %arg9[%add3A_81, %broadcast_in_dim3A_957] : memref<256x64xf32, #tpu.memory_space<vmem>>[vector<16xi32>, vector<16xi32>], vector<16xf32>,
      %mul3A_959 = arith.mulf %get3A_955, %gather3A_958 : vector<16xf32>
      %add3A_960 = arith.addf %add3A_945, %mul3A_959 : vector<16xf32>
      %mul3A_961 = arith.mulf %get3A_955, %get3A_955 : vector<16xf32>
      %add3A_962 = arith.addf %add3A_947, %mul3A_961 : vector<16xf32>
      %mul3A_963 = arith.mulf %gather3A_958, %gather3A_958 : vector<16xf32>
      %add3A_964 = arith.addf %add3A_949, %mul3A_963 : vector<16xf32>
      %mul3A_965 = arith.constant 16 : i32
      %mul3A_966 = arith.muli %scan3A_76, %mul3A_965 : i32
      %get3A_967 = arith.constant 59 : i32
      %get3A_968 = arith.index_cast %get3A_967 : i32 to index
      %get3A_969 = arith.index_cast %mul3A_966 : i32 to index
      %get3A_970 = tpu.vector_load %arg10[%get3A_968, %get3A_969] {strides = array<i32>} : memref<64x256xf32, #tpu.memory_space<vmem>>, vector<16xf32>,
      %broadcast_in_dim3A_971 = arith.constant 59 : i32
      %broadcast_in_dim3A_972 = vector.broadcast %broadcast_in_dim3A_971 : i32 to vector<16xi32>
      %gather3A_973 = tpu.vector_load_idx %arg9[%add3A_81, %broadcast_in_dim3A_972] : memref<256x64xf32, #tpu.memory_space<vmem>>[vector<16xi32>, vector<16xi32>], vector<16xf32>,
      %mul3A_974 = arith.mulf %get3A_970, %gather3A_973 : vector<16xf32>
      %add3A_975 = arith.addf %add3A_960, %mul3A_974 : vector<16xf32>
      %mul3A_976 = arith.mulf %get3A_970, %get3A_970 : vector<16xf32>
      %add3A_977 = arith.addf %add3A_962, %mul3A_976 : vector<16xf32>
      %mul3A_978 = arith.mulf %gather3A_973, %gather3A_973 : vector<16xf32>
      %add3A_979 = arith.addf %add3A_964, %mul3A_978 : vector<16xf32>
      %mul3A_980 = arith.constant 16 : i32
      %mul3A_981 = arith.muli %scan3A_76, %mul3A_980 : i32
      %get3A_982 = arith.constant 60 : i32
      %get3A_983 = arith.index_cast %get3A_982 : i32 to index
      %get3A_984 = arith.index_cast %mul3A_981 : i32 to index
      %get3A_985 = tpu.vector_load %arg10[%get3A_983, %get3A_984] {strides = array<i32>} : memref<64x256xf32, #tpu.memory_space<vmem>>, vector<16xf32>,
      %broadcast_in_dim3A_986 = arith.constant 60 : i32
      %broadcast_in_dim3A_987 = vector.broadcast %broadcast_in_dim3A_986 : i32 to vector<16xi32>
      %gather3A_988 = tpu.vector_load_idx %arg9[%add3A_81, %broadcast_in_dim3A_987] : memref<256x64xf32, #tpu.memory_space<vmem>>[vector<16xi32>, vector<16xi32>], vector<16xf32>,
      %mul3A_989 = arith.mulf %get3A_985, %gather3A_988 : vector<16xf32>
      %add3A_990 = arith.addf %add3A_975, %mul3A_989 : vector<16xf32>
      %mul3A_991 = arith.mulf %get3A_985, %get3A_985 : vector<16xf32>
      %add3A_992 = arith.addf %add3A_977, %mul3A_991 : vector<16xf32>
      %mul3A_993 = arith.mulf %gather3A_988, %gather3A_988 : vector<16xf32>
      %add3A_994 = arith.addf %add3A_979, %mul3A_993 : vector<16xf32>
      %mul3A_995 = arith.constant 16 : i32
      %mul3A_996 = arith.muli %scan3A_76, %mul3A_995 : i32
      %get3A_997 = arith.constant 61 : i32
      %get3A_998 = arith.index_cast %get3A_997 : i32 to index
      %get3A_999 = arith.index_cast %mul3A_996 : i32 to index
      %get3A_1000 = tpu.vector_load %arg10[%get3A_998, %get3A_999] {strides = array<i32>} : memref<64x256xf32, #tpu.memory_space<vmem>>, vector<16xf32>,
      %broadcast_in_dim3A_1001 = arith.constant 61 : i32
      %broadcast_in_dim3A_1002 = vector.broadcast %broadcast_in_dim3A_1001 : i32 to vector<16xi32>
      %gather3A_1003 = tpu.vector_load_idx %arg9[%add3A_81, %broadcast_in_dim3A_1002] : memref<256x64xf32, #tpu.memory_space<vmem>>[vector<16xi32>, vector<16xi32>], vector<16xf32>,
      %mul3A_1004 = arith.mulf %get3A_1000, %gather3A_1003 : vector<16xf32>
      %add3A_1005 = arith.addf %add3A_990, %mul3A_1004 : vector<16xf32>
      %mul3A_1006 = arith.mulf %get3A_1000, %get3A_1000 : vector<16xf32>
      %add3A_1007 = arith.addf %add3A_992, %mul3A_1006 : vector<16xf32>
      %mul3A_1008 = arith.mulf %gather3A_1003, %gather3A_1003 : vector<16xf32>
      %add3A_1009 = arith.addf %add3A_994, %mul3A_1008 : vector<16xf32>
      %mul3A_1010 = arith.constant 16 : i32
      %mul3A_1011 = arith.muli %scan3A_76, %mul3A_1010 : i32
      %get3A_1012 = arith.constant 62 : i32
      %get3A_1013 = arith.index_cast %get3A_1012 : i32 to index
      %get3A_1014 = arith.index_cast %mul3A_1011 : i32 to index
      %get3A_1015 = tpu.vector_load %arg10[%get3A_1013, %get3A_1014] {strides = array<i32>} : memref<64x256xf32, #tpu.memory_space<vmem>>, vector<16xf32>,
      %broadcast_in_dim3A_1016 = arith.constant 62 : i32
      %broadcast_in_dim3A_1017 = vector.broadcast %broadcast_in_dim3A_1016 : i32 to vector<16xi32>
      %gather3A_1018 = tpu.vector_load_idx %arg9[%add3A_81, %broadcast_in_dim3A_1017] : memref<256x64xf32, #tpu.memory_space<vmem>>[vector<16xi32>, vector<16xi32>], vector<16xf32>,
      %mul3A_1019 = arith.mulf %get3A_1015, %gather3A_1018 : vector<16xf32>
      %add3A_1020 = arith.addf %add3A_1005, %mul3A_1019 : vector<16xf32>
      %mul3A_1021 = arith.mulf %get3A_1015, %get3A_1015 : vector<16xf32>
      %add3A_1022 = arith.addf %add3A_1007, %mul3A_1021 : vector<16xf32>
      %mul3A_1023 = arith.mulf %gather3A_1018, %gather3A_1018 : vector<16xf32>
      %add3A_1024 = arith.addf %add3A_1009, %mul3A_1023 : vector<16xf32>
      %mul3A_1025 = arith.constant 16 : i32
      %mul3A_1026 = arith.muli %scan3A_76, %mul3A_1025 : i32
      %get3A_1027 = arith.constant 63 : i32
      %get3A_1028 = arith.index_cast %get3A_1027 : i32 to index
      %get3A_1029 = arith.index_cast %mul3A_1026 : i32 to index
      %get3A_1030 = tpu.vector_load %arg10[%get3A_1028, %get3A_1029] {strides = array<i32>} : memref<64x256xf32, #tpu.memory_space<vmem>>, vector<16xf32>,
      %broadcast_in_dim3A_1031 = arith.constant 63 : i32
      %broadcast_in_dim3A_1032 = vector.broadcast %broadcast_in_dim3A_1031 : i32 to vector<16xi32>
      %gather3A_1033 = tpu.vector_load_idx %arg9[%add3A_81, %broadcast_in_dim3A_1032] : memref<256x64xf32, #tpu.memory_space<vmem>>[vector<16xi32>, vector<16xi32>], vector<16xf32>,
      %mul3A_1034 = arith.mulf %get3A_1030, %gather3A_1033 : vector<16xf32>
      %add3A_1035 = arith.addf %add3A_1020, %mul3A_1034 : vector<16xf32>
      %mul3A_1036 = arith.mulf %get3A_1030, %get3A_1030 : vector<16xf32>
      %add3A_1037 = arith.addf %add3A_1022, %mul3A_1036 : vector<16xf32>
      %mul3A_1038 = arith.mulf %gather3A_1033, %gather3A_1033 : vector<16xf32>
      %add3A_1039 = arith.addf %add3A_1024, %mul3A_1038 : vector<16xf32>
      %mul3A_1040 = arith.constant 16 : i32
      %mul3A_1041 = arith.muli %scan3A_76, %mul3A_1040 : i32
      %swap3A = arith.index_cast %mul3A_1041 : i32 to index
      %swap3A_1042 = tpu.vector_load %arg11[%swap3A] {strides = array<i32>} : memref<256xf32, #tpu.memory_space<vmem>>, vector<16xf32>,
      tpu.vector_store %arg11[%swap3A], %add3A_1035 {strides = array<i32>} : memref<256xf32, #tpu.memory_space<vmem>>, vector<16xf32>,
      %mul3A_1043 = arith.constant 16 : i32
      %mul3A_1044 = arith.muli %scan3A_76, %mul3A_1043 : i32
      %swap3A_1045 = arith.index_cast %mul3A_1044 : i32 to index
      %swap3A_1046 = tpu.vector_load %arg12[%swap3A_1045] {strides = array<i32>} : memref<256xf32, #tpu.memory_space<vmem>>, vector<16xf32>,
      tpu.vector_store %arg12[%swap3A_1045], %add3A_1037 {strides = array<i32>} : memref<256xf32, #tpu.memory_space<vmem>>, vector<16xf32>,
      %mul3A_1047 = arith.constant 16 : i32
      %mul3A_1048 = arith.muli %scan3A_76, %mul3A_1047 : i32
      %swap3A_1049 = arith.index_cast %mul3A_1048 : i32 to index
      %swap3A_1050 = tpu.vector_load %arg13[%swap3A_1049] {strides = array<i32>} : memref<256xf32, #tpu.memory_space<vmem>>, vector<16xf32>,
      tpu.vector_store %arg13[%swap3A_1049], %add3A_1039 {strides = array<i32>} : memref<256xf32, #tpu.memory_space<vmem>>, vector<16xf32>,
    }
    %scan3A_75 = arith.constant 16 : i32
    "tpu.region"() ({
      %run_scoped3A = tpu.sem_alloc : memref<!tpu.dma_semaphore, #tpu.memory_space<semaphore_mem>>
      %dma_start3A_76 = arith.constant 0 : i32
      %dma_start3A_77 = tpu.memref_slice %arg5[%add3A, %dma_start3A_76] : memref<32x256xf32, #tpu.memory_space<hbm>> -> memref<1x256xf32, #tpu.memory_space<hbm>>
      %dma_start3A_78 = tpu.memref_squeeze %dma_start3A_77 : memref<1x256xf32, #tpu.memory_space<hbm>> -> memref<256xf32, #tpu.memory_space<hbm>>
      %dma_start3A_79 = arith.constant 0 : i32
      %dma_start3A_80 = tpu.memref_slice %arg5[%add3A, %dma_start3A_79] : memref<32x256xf32, #tpu.memory_space<hbm>> -> memref<1x256xf32, #tpu.memory_space<hbm>>
      %dma_start3A_81 = tpu.memref_squeeze %dma_start3A_80 : memref<1x256xf32, #tpu.memory_space<hbm>> -> memref<256xf32, #tpu.memory_space<hbm>>
      tpu.enqueue_dma source(%arg11 : memref<256xf32, #tpu.memory_space<vmem>>) target(%dma_start3A_81 : memref<256xf32, #tpu.memory_space<hbm>>) target_semaphore(%run_scoped3A : memref<!tpu.dma_semaphore, #tpu.memory_space<semaphore_mem>>)
      %dma_wait3A_82 = arith.constant 0 : i32
      %dma_wait3A_83 = tpu.memref_slice %arg5[%add3A, %dma_wait3A_82] : memref<32x256xf32, #tpu.memory_space<hbm>> -> memref<1x256xf32, #tpu.memory_space<hbm>>
      %dma_wait3A_84 = tpu.memref_squeeze %dma_wait3A_83 : memref<1x256xf32, #tpu.memory_space<hbm>> -> memref<256xf32, #tpu.memory_space<hbm>>
      %dma_wait3A_85 = arith.constant 0 : i32
      %dma_wait3A_86 = tpu.memref_slice %arg5[%add3A, %dma_wait3A_85] : memref<32x256xf32, #tpu.memory_space<hbm>> -> memref<1x256xf32, #tpu.memory_space<hbm>>
      %dma_wait3A_87 = tpu.memref_squeeze %dma_wait3A_86 : memref<1x256xf32, #tpu.memory_space<hbm>> -> memref<256xf32, #tpu.memory_space<hbm>>
      tpu.wait_dma2 semaphore(%run_scoped3A : memref<!tpu.dma_semaphore, #tpu.memory_space<semaphore_mem>>) src(%arg11 : memref<256xf32, #tpu.memory_space<vmem>>) dst(%dma_wait3A_87 : memref<256xf32, #tpu.memory_space<hbm>>)
      tpu.yield
    }) : () -> ()
    "tpu.region"() ({
      %run_scoped3A = tpu.sem_alloc : memref<!tpu.dma_semaphore, #tpu.memory_space<semaphore_mem>>
      %dma_start3A_76 = arith.constant 0 : i32
      %dma_start3A_77 = tpu.memref_slice %arg6[%add3A, %dma_start3A_76] : memref<32x256xf32, #tpu.memory_space<hbm>> -> memref<1x256xf32, #tpu.memory_space<hbm>>
      %dma_start3A_78 = tpu.memref_squeeze %dma_start3A_77 : memref<1x256xf32, #tpu.memory_space<hbm>> -> memref<256xf32, #tpu.memory_space<hbm>>
      %dma_start3A_79 = arith.constant 0 : i32
      %dma_start3A_80 = tpu.memref_slice %arg6[%add3A, %dma_start3A_79] : memref<32x256xf32, #tpu.memory_space<hbm>> -> memref<1x256xf32, #tpu.memory_space<hbm>>
      %dma_start3A_81 = tpu.memref_squeeze %dma_start3A_80 : memref<1x256xf32, #tpu.memory_space<hbm>> -> memref<256xf32, #tpu.memory_space<hbm>>
      tpu.enqueue_dma source(%arg12 : memref<256xf32, #tpu.memory_space<vmem>>) target(%dma_start3A_81 : memref<256xf32, #tpu.memory_space<hbm>>) target_semaphore(%run_scoped3A : memref<!tpu.dma_semaphore, #tpu.memory_space<semaphore_mem>>)
      %dma_wait3A_82 = arith.constant 0 : i32
      %dma_wait3A_83 = tpu.memref_slice %arg6[%add3A, %dma_wait3A_82] : memref<32x256xf32, #tpu.memory_space<hbm>> -> memref<1x256xf32, #tpu.memory_space<hbm>>
      %dma_wait3A_84 = tpu.memref_squeeze %dma_wait3A_83 : memref<1x256xf32, #tpu.memory_space<hbm>> -> memref<256xf32, #tpu.memory_space<hbm>>
      %dma_wait3A_85 = arith.constant 0 : i32
      %dma_wait3A_86 = tpu.memref_slice %arg6[%add3A, %dma_wait3A_85] : memref<32x256xf32, #tpu.memory_space<hbm>> -> memref<1x256xf32, #tpu.memory_space<hbm>>
      %dma_wait3A_87 = tpu.memref_squeeze %dma_wait3A_86 : memref<1x256xf32, #tpu.memory_space<hbm>> -> memref<256xf32, #tpu.memory_space<hbm>>
      tpu.wait_dma2 semaphore(%run_scoped3A : memref<!tpu.dma_semaphore, #tpu.memory_space<semaphore_mem>>) src(%arg12 : memref<256xf32, #tpu.memory_space<vmem>>) dst(%dma_wait3A_87 : memref<256xf32, #tpu.memory_space<hbm>>)
      tpu.yield
    }) : () -> ()
    "tpu.region"() ({
      %run_scoped3A = tpu.sem_alloc : memref<!tpu.dma_semaphore, #tpu.memory_space<semaphore_mem>>
      %dma_start3A_76 = arith.constant 0 : i32
      %dma_start3A_77 = tpu.memref_slice %arg7[%add3A, %dma_start3A_76] : memref<32x256xf32, #tpu.memory_space<hbm>> -> memref<1x256xf32, #tpu.memory_space<hbm>>
      %dma_start3A_78 = tpu.memref_squeeze %dma_start3A_77 : memref<1x256xf32, #tpu.memory_space<hbm>> -> memref<256xf32, #tpu.memory_space<hbm>>
      %dma_start3A_79 = arith.constant 0 : i32
      %dma_start3A_80 = tpu.memref_slice %arg7[%add3A, %dma_start3A_79] : memref<32x256xf32, #tpu.memory_space<hbm>> -> memref<1x256xf32, #tpu.memory_space<hbm>>
      %dma_start3A_81 = tpu.memref_squeeze %dma_start3A_80 : memref<1x256xf32, #tpu.memory_space<hbm>> -> memref<256xf32, #tpu.memory_space<hbm>>
      tpu.enqueue_dma source(%arg13 : memref<256xf32, #tpu.memory_space<vmem>>) target(%dma_start3A_81 : memref<256xf32, #tpu.memory_space<hbm>>) target_semaphore(%run_scoped3A : memref<!tpu.dma_semaphore, #tpu.memory_space<semaphore_mem>>)
      %dma_wait3A_82 = arith.constant 0 : i32
      %dma_wait3A_83 = tpu.memref_slice %arg7[%add3A, %dma_wait3A_82] : memref<32x256xf32, #tpu.memory_space<hbm>> -> memref<1x256xf32, #tpu.memory_space<hbm>>
      %dma_wait3A_84 = tpu.memref_squeeze %dma_wait3A_83 : memref<1x256xf32, #tpu.memory_space<hbm>> -> memref<256xf32, #tpu.memory_space<hbm>>
      %dma_wait3A_85 = arith.constant 0 : i32
      %dma_wait3A_86 = tpu.memref_slice %arg7[%add3A, %dma_wait3A_85] : memref<32x256xf32, #tpu.memory_space<hbm>> -> memref<1x256xf32, #tpu.memory_space<hbm>>
      %dma_wait3A_87 = tpu.memref_squeeze %dma_wait3A_86 : memref<1x256xf32, #tpu.memory_space<hbm>> -> memref<256xf32, #tpu.memory_space<hbm>>
      tpu.wait_dma2 semaphore(%run_scoped3A : memref<!tpu.dma_semaphore, #tpu.memory_space<semaphore_mem>>) src(%arg13 : memref<256xf32, #tpu.memory_space<vmem>>) dst(%dma_wait3A_87 : memref<256xf32, #tpu.memory_space<hbm>>)
      tpu.yield
    }) : () -> ()
    return
  }
}

module attributes {stable_mosaic.version = 14 : i64} {
  func.func @_front_kernel(%arg0: i32, %arg1: i32, %arg2: memref<1x96x1024xf32, #tpu.memory_space<vmem>>, %arg3: memref<1x96x1024xf32, #tpu.memory_space<vmem>>, %arg4: memref<1024x256xf32, #tpu.memory_space<vmem>>, %arg5: memref<32x16xf32, #tpu.memory_space<vmem>>, %arg6: memref<1x64x4096xf32, #tpu.memory_space<vmem>>, %arg7: memref<1x16x128xi32, #tpu.memory_space<vmem>>, %arg8: memref<1x4096x64xf32, #tpu.memory_space<vmem>>, %arg9: memref<4096x4xf32, #tpu.memory_space<vmem>>, %arg10: memref<4x4096xf32, #tpu.memory_space<vmem>>) attributes {dimension_semantics = [#tpu.dimension_semantics<parallel>, #tpu.dimension_semantics<arbitrary>], iteration_bounds = array<i64: 2, 2>, scalar_prefetch = 0 : i64, scratch_operands = 2 : i64, tpu.core_type = #tpu.core_type<tc>, window_params = [{transform_indices = @transform_0, window_bounds = array<i64: 1, 96, 1024>}, {transform_indices = @transform_1, window_bounds = array<i64: 1, 96, 1024>}, {pipeline_mode = #tpu.pipeline_mode<synchronous>, transform_indices = @transform_2, window_bounds = array<i64: 1024, 256>}, {pipeline_mode = #tpu.pipeline_mode<synchronous>, transform_indices = @transform_3, window_bounds = array<i64: 32, 16>}, {transform_indices = @transform_4, window_bounds = array<i64: 1, 64, 4096>}, {transform_indices = @transform_5, window_bounds = array<i64: 1, 16, 128>}, {transform_indices = @transform_6, window_bounds = array<i64: 1, 4096, 64>}]} {
    %eq3A = arith.constant 0 : i32
    %eq3A_0 = arith.cmpi eq, %arg1, %eq3A : i32
    %convert_element_type3A = arith.extui %eq3A_0 : i1 to i32
    %cond3A = arith.constant 0 : i32
    %cond3A_1 = arith.cmpi ne, %convert_element_type3A, %cond3A : i32
    scf.if %cond3A_1 {
      %get3A_17 = arith.constant 0 : index
      %get3A_18 = arith.constant 0 : index
      %get3A_19 = arith.constant 0 : index
      %get3A_20 = vector.load %arg2[%get3A_17, %get3A_18, %get3A_19] : memref<1x96x1024xf32, #tpu.memory_space<vmem>>, vector<1x96x1024xf32>
      %get3A_21 = vector.shape_cast %get3A_20 : vector<1x96x1024xf32> to vector<96x1024xf32>
      %get3A_22 = arith.constant 0 : index
      %get3A_23 = arith.constant 0 : index
      %get3A_24 = arith.constant 0 : index
      %get3A_25 = vector.load %arg3[%get3A_22, %get3A_23, %get3A_24] : memref<1x96x1024xf32, #tpu.memory_space<vmem>>, vector<1x96x1024xf32>
      %get3A_26 = vector.shape_cast %get3A_25 : vector<1x96x1024xf32> to vector<96x1024xf32>
      %concatenate3A = tpu.concatenate %get3A_21, %get3A_26 in 0 : vector<96x1024xf32>, vector<96x1024xf32> -> vector<192x1024xf32>
      %get3A_27 = arith.constant 0 : index
      %get3A_28 = arith.constant 0 : index
      %get3A_29 = vector.load %arg4[%get3A_27, %get3A_28] : memref<1024x256xf32, #tpu.memory_space<vmem>>, vector<1024x256xf32>
      %dot_general3A_30 = arith.constant dense<0.000000e+00> : vector<192x256xf32>
      %dot_general3A_31 = tpu.matmul %concatenate3A, %get3A_29, %dot_general3A_30 {dimension_numbers = #tpu.dot_dimension_numbers<[1], [0], [0], [1], [0, 0, 1, 1], [], []>, transpose_lhs_hint = false} : vector<192x1024xf32>, vector<1024x256xf32>, vector<192x256xf32> -> vector<192x256xf32>
      %reshape3A_32 = vector.shape_cast %dot_general3A_31 : vector<192x256xf32> to vector<6x32x256xf32>
      %transpose3A = tpu.transpose %reshape3A_32, [0, 2, 1] : vector<6x32x256xf32> -> vector<6x256x32xf32>
      %reshape3A_33 = vector.shape_cast %transpose3A : vector<6x256x32xf32> to vector<1536x32xf32>
      %get3A_34 = arith.constant 0 : index
      %get3A_35 = arith.constant 0 : index
      %get3A_36 = vector.load %arg5[%get3A_34, %get3A_35] : memref<32x16xf32, #tpu.memory_space<vmem>>, vector<32x16xf32>
      %dot_general3A_37 = arith.constant dense<0.000000e+00> : vector<1536x16xf32>
      %dot_general3A_38 = tpu.matmul %reshape3A_33, %get3A_36, %dot_general3A_37 {dimension_numbers = #tpu.dot_dimension_numbers<[1], [0], [0], [1], [0, 0, 1, 1], [], []>, transpose_lhs_hint = false} : vector<1536x32xf32>, vector<32x16xf32>, vector<1536x16xf32> -> vector<1536x16xf32>
      %reshape3A_39 = vector.shape_cast %dot_general3A_38 : vector<1536x16xf32> to vector<6x256x16xf32>
      %transpose3A_40 = tpu.transpose %reshape3A_39, [0, 2, 1] : vector<6x256x16xf32> -> vector<6x16x256xf32>
      %reshape3A_41 = vector.shape_cast %transpose3A_40 : vector<6x16x256xf32> to vector<6x4096xf32>
      %slice3A = vector.extract_strided_slice %reshape3A_41 {offsets = [0, 0], sizes = [3, 4096], strides = [1, 1]} : vector<6x4096xf32> to vector<3x4096xf32>
      %slice3A_42 = vector.extract_strided_slice %reshape3A_41 {offsets = [3, 0], sizes = [3, 4096], strides = [1, 1]} : vector<6x4096xf32> to vector<3x4096xf32>
      %mul3A_43 = arith.mulf %slice3A_42, %slice3A_42 : vector<3x4096xf32>
      %reduce_sum3A = arith.constant dense<0.000000e+00> : vector<4096xf32>
      %reduce_sum3A_44 = vector.multi_reduction <add>, %mul3A_43, %reduce_sum3A [0] : vector<3x4096xf32> to vector<4096xf32>
      %broadcast_in_dim3A = vector.shape_cast %reduce_sum3A_44 : vector<4096xf32> to vector<1x4096xf32>
      %mul3A_45 = arith.constant -5.000000e-01 : f32
      %mul3A_46 = vector.broadcast %mul3A_45 : f32 to vector<1x4096xf32>
      %mul3A_47 = arith.mulf %mul3A_46, %broadcast_in_dim3A : vector<1x4096xf32>
      %concatenate3A_48 = tpu.concatenate %slice3A_42, %mul3A_47 in 0 : vector<3x4096xf32>, vector<1x4096xf32> -> vector<4x4096xf32>
      %swap3A_49 = arith.constant 0 : index
      %swap3A_50 = arith.constant 0 : index
      %swap3A_51 = vector.load %arg10[%swap3A_49, %swap3A_50] : memref<4x4096xf32, #tpu.memory_space<vmem>>, vector<4x4096xf32>
      tpu.vector_store %arg10[%swap3A_49, %swap3A_50], %concatenate3A_48 {strides = array<i32>} : memref<4x4096xf32, #tpu.memory_space<vmem>>, vector<4x4096xf32>,
      %transpose3A_52 = tpu.transpose %slice3A, [1, 0] : vector<3x4096xf32> -> vector<4096x3xf32>
      %broadcast_in_dim3A_53 = arith.constant 1.000000e+00 : f32
      %broadcast_in_dim3A_54 = vector.broadcast %broadcast_in_dim3A_53 : f32 to vector<4096x1xf32>
      %concatenate3A_55 = tpu.concatenate %transpose3A_52, %broadcast_in_dim3A_54 in 1 : vector<4096x3xf32>, vector<4096x1xf32> -> vector<4096x4xf32>
      %swap3A_56 = arith.constant 0 : index
      %swap3A_57 = arith.constant 0 : index
      %swap3A_58 = vector.load %arg9[%swap3A_56, %swap3A_57] : memref<4096x4xf32, #tpu.memory_space<vmem>>, vector<4096x4xf32>
      tpu.vector_store %arg9[%swap3A_56, %swap3A_57], %concatenate3A_55 {strides = array<i32>} : memref<4096x4xf32, #tpu.memory_space<vmem>>, vector<4096x4xf32>,
      %get3A_59 = arith.constant 0 : index
      %get3A_60 = arith.constant 0 : index
      %get3A_61 = arith.constant 0 : index
      %get3A_62 = vector.load %arg6[%get3A_59, %get3A_60, %get3A_61] : memref<1x64x4096xf32, #tpu.memory_space<vmem>>, vector<1x64x4096xf32>
      %get3A_63 = vector.shape_cast %get3A_62 : vector<1x64x4096xf32> to vector<64x4096xf32>
      %transpose3A_64 = tpu.transpose %get3A_63, [1, 0] : vector<64x4096xf32> -> vector<4096x64xf32>
      %swap3A_65 = arith.constant 0 : index
      %swap3A_66 = arith.constant 0 : index
      %swap3A_67 = arith.constant 0 : index
      %swap3A_68 = vector.load %arg8[%swap3A_65, %swap3A_66, %swap3A_67] : memref<1x4096x64xf32, #tpu.memory_space<vmem>>, vector<1x4096x64xf32>
      %swap3A_69 = vector.shape_cast %swap3A_68 : vector<1x4096x64xf32> to vector<4096x64xf32>
      %swap3A_70 = vector.shape_cast %transpose3A_64 : vector<4096x64xf32> to vector<1x4096x64xf32>
      tpu.vector_store %arg8[%swap3A_65, %swap3A_66, %swap3A_67], %swap3A_70 {strides = array<i32>} : memref<1x4096x64xf32, #tpu.memory_space<vmem>>, vector<1x4096x64xf32>,
    } else {
    }
    %mul3A = arith.constant 2048 : i32
    %mul3A_2 = arith.muli %arg1, %mul3A : i32
    %get3A = arith.index_cast %mul3A_2 : i32 to index
    %get3A_3 = arith.constant 0 : index
    %get3A_4 = vector.load %arg9[%get3A, %get3A_3] : memref<4096x4xf32, #tpu.memory_space<vmem>>, vector<2048x4xf32>
    %get3A_5 = arith.constant 0 : index
    %get3A_6 = arith.constant 0 : index
    %get3A_7 = vector.load %arg10[%get3A_5, %get3A_6] : memref<4x4096xf32, #tpu.memory_space<vmem>>, vector<4x4096xf32>
    %dot_general3A = arith.constant dense<0.000000e+00> : vector<2048x4096xf32>
    %dot_general3A_8 = tpu.matmul %get3A_4, %get3A_7, %dot_general3A {dimension_numbers = #tpu.dot_dimension_numbers<[1], [0], [0], [1], [0, 0, 1, 1], [], []>, transpose_lhs_hint = false} : vector<2048x4xf32>, vector<4x4096xf32>, vector<2048x4096xf32> -> vector<2048x4096xf32>
    %argmax3A = tpu.reduce_index %dot_general3A_8 {axis = 1 : i32, kind = #tpu.reduction_kind<arg_max>} : vector<2048x4096xf32> -> vector<2048xi32>
    %mul3A_9 = arith.constant 4096 : i32
    %mul3A_10 = arith.muli %arg0, %mul3A_9 : i32
    %add3A = vector.broadcast %mul3A_10 : i32 to vector<2048xi32>
    %add3A_11 = arith.addi %argmax3A, %add3A : vector<2048xi32>
    %reshape3A = vector.shape_cast %add3A_11 : vector<2048xi32> to vector<16x128xi32>
    %swap3A = arith.constant 0 : index
    %swap3A_12 = arith.constant 0 : index
    %swap3A_13 = arith.constant 0 : index
    %swap3A_14 = vector.load %arg7[%swap3A, %swap3A_12, %swap3A_13] : memref<1x16x128xi32, #tpu.memory_space<vmem>>, vector<1x16x128xi32>
    %swap3A_15 = vector.shape_cast %swap3A_14 : vector<1x16x128xi32> to vector<16x128xi32>
    %swap3A_16 = vector.shape_cast %reshape3A : vector<16x128xi32> to vector<1x16x128xi32>
    tpu.vector_store %arg7[%swap3A, %swap3A_12, %swap3A_13], %swap3A_16 {strides = array<i32>} : memref<1x16x128xi32, #tpu.memory_space<vmem>>, vector<1x16x128xi32>,
    return
  }
  func.func @transform_0(%arg0: i32, %arg1: i32) -> (i32, i32, i32) {
    %c0_i32 = arith.constant 0 : i32
    %c0_i32_0 = arith.constant 0 : i32
    %c0_i32_1 = arith.constant 0 : i32
    return %arg0, %c0_i32, %c0_i32_0 : i32, i32, i32
  }
  func.func @transform_1(%arg0: i32, %arg1: i32) -> (i32, i32, i32) {
    %c0_i32 = arith.constant 0 : i32
    %c0_i32_0 = arith.constant 0 : i32
    %c0_i32_1 = arith.constant 0 : i32
    return %arg0, %c0_i32, %c0_i32_0 : i32, i32, i32
  }
  func.func @transform_2(%arg0: i32, %arg1: i32) -> (i32, i32) {
    %c0_i32 = arith.constant 0 : i32
    %c0_i32_0 = arith.constant 0 : i32
    %c0_i32_1 = arith.constant 0 : i32
    return %c0_i32, %c0_i32_0 : i32, i32
  }
  func.func @transform_3(%arg0: i32, %arg1: i32) -> (i32, i32) {
    %c0_i32 = arith.constant 0 : i32
    %c0_i32_0 = arith.constant 0 : i32
    %c0_i32_1 = arith.constant 0 : i32
    return %c0_i32, %c0_i32_0 : i32, i32
  }
  func.func @transform_4(%arg0: i32, %arg1: i32) -> (i32, i32, i32) {
    %c0_i32 = arith.constant 0 : i32
    %c0_i32_0 = arith.constant 0 : i32
    %c0_i32_1 = arith.constant 0 : i32
    return %arg0, %c0_i32, %c0_i32_0 : i32, i32, i32
  }
  func.func @transform_5(%arg0: i32, %arg1: i32) -> (i32, i32, i32) {
    %mul3A = arith.constant 2 : i32
    %mul3A_0 = arith.muli %arg0, %mul3A : i32
    %add3A = arith.addi %mul3A_0, %arg1 : i32
    %c0_i32 = arith.constant 0 : i32
    %c0_i32_1 = arith.constant 0 : i32
    %c0_i32_2 = arith.constant 0 : i32
    return %add3A, %c0_i32, %c0_i32_1 : i32, i32, i32
  }
  func.func @transform_6(%arg0: i32, %arg1: i32) -> (i32, i32, i32) {
    %c0_i32 = arith.constant 0 : i32
    %c0_i32_0 = arith.constant 0 : i32
    %c0_i32_1 = arith.constant 0 : i32
    return %arg0, %c0_i32, %c0_i32_0 : i32, i32, i32
  }
}

module attributes {stable_mosaic.version = 14 : i64} {
  func.func @_loss_kernel(%arg0: memref<64x128xf32, #tpu.memory_space<vmem>>, %arg1: memref<64x128xf32, #tpu.memory_space<vmem>>, %arg2: memref<64x128xf32, #tpu.memory_space<vmem>>, %arg3: memref<1x1xf32, #tpu.memory_space<smem>>) attributes {dimension_semantics = [], scalar_prefetch = 0 : i64, scratch_operands = 0 : i64, tpu.core_type = #tpu.core_type<tc>} {
    %get3A = arith.constant 0 : index
    %get3A_0 = arith.constant 0 : index
    %get3A_1 = vector.load %arg0[%get3A, %get3A_0] : memref<64x128xf32, #tpu.memory_space<vmem>>, vector<64x128xf32>
    %get3A_2 = arith.constant 0 : index
    %get3A_3 = arith.constant 0 : index
    %get3A_4 = vector.load %arg1[%get3A_2, %get3A_3] : memref<64x128xf32, #tpu.memory_space<vmem>>, vector<64x128xf32>
    %sqrt3A = math.sqrt %get3A_4 : vector<64x128xf32>
    %max3A = arith.constant 9.99999993E-9 : f32
    %max3A_5 = vector.broadcast %max3A : f32 to vector<64x128xf32>
    %max3A_6 = arith.maximumf %sqrt3A, %max3A_5 : vector<64x128xf32>
    %get3A_7 = arith.constant 0 : index
    %get3A_8 = arith.constant 0 : index
    %get3A_9 = vector.load %arg2[%get3A_7, %get3A_8] : memref<64x128xf32, #tpu.memory_space<vmem>>, vector<64x128xf32>
    %sqrt3A_10 = math.sqrt %get3A_9 : vector<64x128xf32>
    %max3A_11 = arith.constant 9.99999993E-9 : f32
    %max3A_12 = vector.broadcast %max3A_11 : f32 to vector<64x128xf32>
    %max3A_13 = arith.maximumf %sqrt3A_10, %max3A_12 : vector<64x128xf32>
    %mul3A = arith.mulf %max3A_6, %max3A_13 : vector<64x128xf32>
    %div3A = arith.divf %get3A_1, %mul3A : vector<64x128xf32>
    %reduce_sum3A = vector.shape_cast %div3A : vector<64x128xf32> to vector<1x64x128xf32>
    %reduce_sum3A_14 = arith.constant dense<0.000000e+00> : vector<1xf32>
    %reduce_sum3A_15 = vector.multi_reduction <add>, %reduce_sum3A, %reduce_sum3A_14 [1, 2] : vector<1x64x128xf32> to vector<1xf32>
    %reduce_sum3A_16 = vector.shape_cast %reduce_sum3A_15 : vector<1xf32> to vector<1x1x1xf32>
    %reduce_sum3A_17 = vector.extract %reduce_sum3A_16[0, 0, 0] : f32 from vector<1x1x1xf32>
    %div3A_18 = arith.constant 8.192000e+03 : f32
    %div3A_19 = arith.divf %reduce_sum3A_17, %div3A_18 : f32
    %sub3A = arith.constant 1.000000e+00 : f32
    %sub3A_20 = arith.subf %sub3A, %div3A_19 : f32
    %swap3A = arith.constant 0 : index
    %swap3A_21 = arith.constant 0 : index
    %swap3A_22 = memref.load %arg3[%swap3A, %swap3A_21] : memref<1x1xf32, #tpu.memory_space<smem>>
    memref.store %sub3A_20, %arg3[%swap3A, %swap3A_21] : memref<1x1xf32, #tpu.memory_space<smem>>
    return
  }
}

</mosaic_0001>

<sc_bundles>
// kernel: kernel.5.cloned.1.call-start
scs
__scs_entry_jumppad:
0x0: {  	(pc) =	sbr.rel $0x88, $3  }
0x1: {  	(tag) =	ssettag $0x0;
	lr =	simm.s32 $0x1  }
0x2: {  	[smem:$0x3F9D] =	sst lr;
	_ =	strace $0xD0000000  }
0x3: {  	_ = 	snop  }
0x4: {  	_ = 	snop  }
0x5: {  	_ = 	snop  }
0x6: {  	_ = 	snop  }
0x7: {  	_ = 	snop  }
__scs_overlays_trampoline_lowered:
0x8: {  	[smem:$0x3FAC] =	sst s0  }
0x9: {  	[smem:$0x3FAD] =	sst s1  }
0xa: {  	[smem:$0x3FAE] =	sst s2  }
0xb: {  	[smem:$0x3FAF] =	sst s3  }
0xc: {  	[smem:$0x3FB0] =	sst s4  }
0xd: {  	[smem:$0x3FB1] =	sst s5  }
0xe: {  	[smem:$0x3FB2] =	sst s6  }
0xf: {  	[smem:$0x3FB3] =	sst s7  }
0x10: {  	[smem:$0x3FB4] =	sst s8  }
0x11: {  	[smem:$0x3FB5] =	sst s9;
	s0 =	simm.s32 @!p0 $0x0  }
0x12: {  	s1 =	sld [smem:$0x3F9B];
	s0 =	simm.s32 @p0 $0x1  }
0x13: {  	[smem:$0x3FB6] =	sst s0;
	s0 =	simm.s32 @!p1 $0x0  }
0x14: {  	s2 =	sld [smem:$0x3F9A];
	s0 =	simm.s32 @p1 $0x1  }
0x15: {  	[smem:$0x3FB7] =	sst s0;
	s0 =	simm.s32 @!p2 $0x0  }
0x16: {  	s3 =	sld [smem:$0x3FDB];
	s0 =	simm.s32 @p2 $0x1  }
0x17: {  	s4 =	simm.s32 $0x1BF5;
	[smem:$0x3FB9] =	sst s0  }
0x18: {  	s0 =	sld [smem:$0x3F9C];
	_ =	swait.ge [sflag:s4], $0x0  }
0x19: {  	s7 =	sld [smem:$0x3F9D]  }
0x1a: {  	s8 =	sadd.s32 $0xFFFFE003, lr  }
0x1b: {  	s9 =	sadd.s32 $0xFFFFFEF7, lr;
	s5 =	simm.s32 $0xFFFFFFFF;
	p2 =	slt.u32 s8, $0xFFFFF086  }
0x1c: {  	p1 =	slt.u32 s9, $0xF7A;
	s5 =	simm.s32 @!p2 $0x0  }
0x1d: {  	s5 =	simm.s32 @p1 $0x1;
	p0 =	seq.s32 s7, s2  }
0x1e: {  	s7 =	smul.u32 @!p0 $0xF7A, s2;
	p2 =	seq.s32 @!p0 s5, $0x0  }
0x1f: {  	s9 =	smul.u32 $0xF7A, s1;
	s8 =	simm.s32 @!p0 $0x1BF5;
	p2 =	por !p2, p0  }
0x20: {  	[sflag:s8] =	ssyncset.s32 @!p0 $0xFFFFF086;
	s6 =	sadd.s32 @!p0 s3, s7;
	s7 =	simm.s32 @!p0 $0x108  }
0x21: {  	s3 =	sadd.s32 s3, s9;
	s6 =	sadd.s32 @!p0 $0x88, s6;
	s7 =	simm.s32 @p2 $0x1082  }
0x22: {  	[simem:s7], [sflag:s8] =	dma.local @!p0 [hbm:s6], $0xF7A  }
0x23: {  	s9 =	sor.u32 $0xD0000000, s2;
	s6 =	simm.s32 $0x108;
	_ =	swait.ge @!p0 [sflag:s8], $0x0  }
0x24: {  	s3 =	sadd.s32 $0x88, s3;
	s6 =	simm.s32 @!p1 $0x1082;
	[sflag:s4] =	ssyncset.s32 $0xFFFFF086  }
0x25: {  	[simem:s6], [sflag:s4] =	dma.local [hbm:s3], $0xF7A  }
0x26: {  	[smem:$0x3F9D] =	sst s1;
	(tag) =	ssettag s2;
	_ =	strace s9  }
0x27: {  	s1 =	sld [smem:$0x3FAD]  }
0x28: {  	s2 =	sld [smem:$0x3FAE]  }
0x29: {  	s4 =	sld [smem:$0x3FB0]  }
0x2a: {  	p0 =	seq.s32 s5, $0x0;
	s5 =	sld [smem:$0x3FB1]  }
0x2b: {  	s6 =	sld [smem:$0x3FB2]  }
0x2c: {  	s7 =	sld [smem:$0x3FB3]  }
0x2d: {  	s3 =	simm.s32 $0x108;
	s8 =	sld [smem:$0x3FB4]  }
0x2e: {  	s3 =	simm.s32 @!p0 $0x1082;
	s9 =	sld [smem:$0x3FB5]  }
0x2f: {  	lr =	sadd.s32 s0, s3;
	s0 =	sld [smem:$0x3FAC]  }
0x30: {  	s3 =	sld [smem:$0x3FAF]  }
0x31: {  	[smem:$0x3FB8] =	sst s10  }
0x32: {  	s10 =	sld [smem:$0x3FB6];
	_ =	sdelay $0x3  }
0x33: {  	p0 =	seq.s32 s10, $0x1;
	s10 =	sld [smem:$0x3FB8];
	_ =	sdelay $0x3  }
0x34: {  	[smem:$0x3FB8] =	sst s10  }
0x35: {  	s10 =	sld [smem:$0x3FB7];
	_ =	sdelay $0x3  }
0x36: {  	p1 =	seq.s32 s10, $0x1;
	s10 =	sld [smem:$0x3FB8];
	_ =	sdelay $0x3  }
0x37: {  	[smem:$0x3FB8] =	sst s10  }
0x38: {  	s10 =	sld [smem:$0x3FB9]  }
0x39: {  	_ = 	snop;
	(pc) =	sbr.ind lr, $3  }
0x3a: {  	_ = 	snop  }
0x3b: {  	_ = 	snop  }
0x3c: {  	p2 =	seq.s32 s10, $0x1;
	s10 =	sld [smem:$0x3FB8]  }
0x3d: {  	_ =	shalt  }
0x3e: {  	_ =	shalt  }
0x3f: {  	_ =	shalt  }
0x40: {  	_ =	shalt  }
0x41: {  	_ =	shalt  }
0x42: {  	_ =	shalt  }
0x43: {  	_ =	shalt  }
0x44: {  	_ =	shalt  }
0x45: {  	_ =	shalt  }
0x46: {  	_ =	shalt  }
0x47: {  	_ =	shalt  }
0x48: {  	_ =	shalt  }
0x49: {  	_ =	shalt  }
0x4a: {  	_ =	shalt  }
0x4b: {  	_ =	shalt  }
0x4c: {  	_ =	shalt  }
0x4d: {  	_ =	shalt  }
0x4e: {  	_ =	shalt  }
0x4f: {  	_ =	shalt  }
0x50: {  	_ =	shalt  }
0x51: {  	_ =	shalt  }
0x52: {  	_ =	shalt  }
0x53: {  	_ =	shalt  }
0x54: {  	_ =	shalt  }
0x55: {  	_ =	shalt  }
0x56: {  	_ =	shalt  }
0x57: {  	_ =	shalt  }
0x58: {  	_ =	shalt  }
0x59: {  	_ =	shalt  }
0x5a: {  	_ =	shalt  }
0x5b: {  	_ =	shalt  }
0x5c: {  	_ =	shalt  }
0x5d: {  	_ =	shalt  }
0x5e: {  	_ =	shalt  }
0x5f: {  	_ =	shalt  }
0x60: {  	_ =	shalt  }
0x61: {  	_ =	shalt  }
0x62: {  	_ =	shalt  }
0x63: {  	_ =	shalt  }
0x64: {  	_ =	shalt  }
0x65: {  	_ =	shalt  }
0x66: {  	_ =	shalt  }
0x67: {  	_ =	shalt  }
0x68: {  	_ =	shalt  }
0x69: {  	_ =	shalt  }
0x6a: {  	_ =	shalt  }
0x6b: {  	_ =	shalt  }
0x6c: {  	_ =	shalt  }
0x6d: {  	_ =	shalt  }
0x6e: {  	_ =	shalt  }
0x6f: {  	_ =	shalt  }
0x70: {  	_ =	shalt  }
0x71: {  	_ =	shalt  }
0x72: {  	_ =	shalt  }
0x73: {  	_ =	shalt  }
0x74: {  	_ =	shalt  }
0x75: {  	_ =	shalt  }
0x76: {  	_ =	shalt  }
0x77: {  	_ =	shalt  }
0x78: {  	_ =	shalt  }
0x79: {  	_ =	shalt  }
0x7a: {  	_ =	shalt  }
0x7b: {  	_ =	shalt  }
0x7c: {  	_ =	shalt  }
0x7d: {  	_ =	shalt  }
0x7e: {  	_ =	shalt  }
0x7f: {  	_ =	shalt  }
0x80: {  	_ =	shalt  }
0x81: {  	_ =	shalt  }
0x82: {  	_ =	shalt  }
0x83: {  	_ =	shalt  }
0x84: {  	_ =	shalt  }
0x85: {  	_ =	shalt  }
0x86: {  	_ =	shalt  }
0x87: {  	_ =	shalt  }
.Lfunc_end0:
.L_simem_size_0:
called_computation_lowered:
.L_overlay_start_0:
0x88: {  	s2 =	sld [smem:$0x3FD9]  }
0x89: {  	s3 =	sld [smem:$0x3FFE];
	_ =	sdelay $0x1  }
0x8a: {  	s1 =	srdreg.scid  }
0x8b: {  	s0 =	sand.u32 $0x1, s1  }
0x8c: {  	s16 =	sshll.u32 s0, $0xA;
	s2 =	sadd.s32 s3, s2  }
0x8d: {  	s2 =	sadd.s32 s2, s16  }
0x8e: {  	[smem:$0x3FC4] =	sst s2  }
0x8f: {  	_ = 	snop  }
0x90: {  	(tm) =	ssettm $0x1  }
0x91: {  	s17 =	sld [smem:$0x3FFB];
	_ =	sdelay $0x3  }
0x92: {  	_ =	strace s17  }
0x93: {  	s2 =	sld [smem:$0x3FFC];
	_ =	sdelay $0x3  }
0x94: {  	_ =	strace s2  }
0x95: {  	s2 =	sld [smem:$0x3FFD];
	_ =	sdelay $0x3  }
0x96: {  	_ =	strace s2  }
0x97: {  	_ =	strace $0x8FFFFFFF  }
0x98: {  	s18 =	sld [smem:$0x3FDB];
	_ =	sdelay $0x1  }
0x99: {  	s19 =	simm.s32 $_scs_section_size  }
0x9a: {  	s4 =	simm.s32 $_size__tile_overlayer_lowered;
	s5 =	simm.s32 $_tile_overlayer_lowered  }
0x9b: {  	s22 =	simm.s32 $0x1BFF;
	s21 =	sshll.u32 s5, $0x1;
	s2 =	sadd.s32 s19, s18  }
0x9c: {  	s6 =	simm.s32 $0x0;
	s20 =	sshll.u32 s4, $0x1;
	s4 =	sadd.s32 s21, s2  }
0x9d: {  	[timem:s6], [sflag:s22] =	dma.local [hbm:s4], s20  }
0x9e: {  	_ =	swait.ge [sflag:s22], s20  }
0x9f: {  	s3 =	ssub.s32 $0x0, s20;
	[sflag:s22] =	ssyncset.done $0x0  }
0xa0: {  	[sflag:s22] =	ssyncadd.s32 s3;
	_ =	sdelay $0x1  }
0xa1: {  	s23 =	simm.s32 $0x1B8B  }
0xa2: {  	_ =	swait.ge [sflag:s23], $0x1  }
0xa3: {  	[sflag:s23] =	ssyncset.done $0x0  }
0xa4: {  	s25 =	simm.s32 $0x1B8E;
	s24 =	sld [smem:$0x3FFE];
	[sflag:s23] =	ssyncadd.s32 $0xFFFFFFFF  }
0xa5: {  	s26 =	simm.s32 $execute0_lowered;
	[smem:$0x3FD2] =	sst s25  }
0xa6: {  	s4 =	sshll.u32 s26, $0x1;
	_ =	strace $0x80000046;
	[dreg:$0x1] =	wrdreg $0xFFFFFFFF  }
0xa7: {  	s28 =	simm.s32 $_size_execute0_lowered;
	s2 =	sadd.s32 s2, s4;
	[dreg:$0x0] =	wrdreg $0x0  }
0xa8: {  	s4 =	sshll.u32 s28, $0x1;
	[dreg:$0x2] =	wrdreg s2  }
0xa9: {  	[dreg:$0x3] =	wrdreg s4  }
0xaa: {  	[dreg:$0x4] =	wrdreg $0xC0  }
0xab: {  	_ =	task [dreg:s6], $0x5FFFF  }
0xac: {  	[dreg:$0x1] =	wrdreg $0xFFFFFFFF  }
0xad: {  	[dreg:$0x0] =	wrdreg $0x60  }
0xae: {  	[dreg:$0x2] =	wrdreg s24  }
0xaf: {  	[dreg:$0x3] =	wrdreg $0x9  }
0xb0: {  	_ =	task.clear_ibuf [dreg:s6], $0x4FFFF;
	_ =	strace $0x90000046  }
0xb1: {  	s29 =	simm.s32 $0x9;
	_ =	strace $0x80000048  }
0xb2: {  	_ =	swait.ge [sflag:s29], $0x1  }
0xb3: {  	[sflag:s29] =	ssyncadd.s32 $0xFFFFFFFF  }
0xb4: {  	_ =	strace $0x90000048  }
0xb5: {  	_ =	sfence  }
0xb6: {  	s30 =	sld [smem:$0x0];
	_ =	sdelay $0x2  }
0xb7: {  	s31 =	sshll.u32 s1, $0xD;
	s1 =	sshrl.u32 s1, $0x2  }
0xb8: {  	s3 =	sand.u32 $0x4000, s31;
	s1 =	sadd.s32 s1, s30  }
0xb9: {  	s0 =	sor.u32 s3, s0;
	s1 =	sshll.u32 s1, $0x11  }
0xba: {  	s0 =	sor.u32 s1, s0  }
0xbb: {  	s0 =	sadd.s32 $0x8F2B, s0  }
0xbc: {  	[sflag:s0] =	ssyncadd.remote.s32 $0x1  }
0xbd: {  	_ =	sfence.sel $0xFFFF  }
0xbe: {  	[dreg:$0x0] =	wrdreg $0xFFFFFFFF;
	(pc) =	sbr.abs _section_cstart, $3  }
0xbf: {  	[dreg:$0x1] =	wrdreg $0xFFFFFFFF  }
0xc0: {  	_ =	task.clear_ibuf [dreg:s6], $0x2FFFF;
	_ =	strace $0x9FFFFFFF  }
0xc1: {  	(tm) =	ssettm $0x7FFFFFFF  }
tec
execute0_lowered:
.L_overlay_start_1:
0x0: {  	(tag) =	ssettag $0x1  }
0x1: {  	s4 =	rddreg [dreg:$0x0]  }
0x2: {  	s0 =	rddreg [dreg:$0x1]  }
0x3: {  	s2 =	simm.s32 $0x0;
	s3 =	srdreg.scid;
	s1 =	stileid.u32  }
0x4: {  	s11 =	simm.s32 $0x100;
	s12 =	simm.s32 $0x1000;
	s13 =	simm.s32 $0x4100  }
0x5: {  	s14 =	simm.s32 $0x80;
	s15 =	simm.s32 $0x2100;
	s16 =	simm.s32 $0x1  }
0x6: {  	s17 =	simm.s32 $0x8100;
	s18 =	simm.s32 $0x8200;
	s19 =	simm.s32 $0x8300  }
0x7: {  	s20 =	simm.s32 $0x0;
	[smem:$0x7FF] =	sst s2;
	s5 =	sand.u32 $0x1, s3  }
0x8: {  	s6 =	sshll.u32 s1, $0xC;
	s7 =	sshll.u32 s1, $0x6;
	s3 =	sadd.s32 $0x1C00, s4  }
0x9: {  	_ =	strace $0x80000047;
	s8 =	sshll.u32 s5, $0x5;
	s6 =	sand.u32 $0x8000, s6  }
0xa: {  	s5 =	ssub.s32 $0x2, s5;
	s7 =	sor.u32 s8, s7;
	s6 =	sadd.s32 s6, s4  }
0xb: {  	s31 =	sshrl.u32 s5, $0x1;
	s8 =	sand.u32 $0x1E0, s7;
	s9 =	sadd.s32 s7, s4  }
0xc: {  	s10 =	ssub.s32 s5, s31;
	s6 =	sadd.s32 s8, s6;
	s4 =	sadd.s32 $0x1800, s9  }
0xd: {  	v0 =	vlaneseq.u32;
	s7 =	sadd.s32 $0x22000, s9;
	s8 =	sadd.s32 $0x22400, s9;
	s5 =	sadd.s32 $0x11C00, s6  }
0xe: {  	v0 =	vmul.u32 $0x40, v0;
	s6 =	sadd.s32 $0x21C00, s9;
	s9 =	smax.u32 s10, $0x1;
	s10 =	simm.s32 $0x2  }
.LBB2_1:
0xf: {  	[tilespmem:s2], [sflag:$0x2] =	stream.linear.gather [hbm4b:s4+s2], $0x100, $0x38;
	[tilespmem:$0x8400] =	vst v63  }
0x10: {  	_ =	swait.ge [sflag:s10], $0x100  }
0x11: {  	[sflag:s10] =	ssyncset.done $0x0  }
0x12: {  	[sflag:s10] =	ssyncadd.s32 $0xFFFFFF00  }
0x13: {  	[tilespmem:s13], [sflag:$0x2] =	stream.strided.gather [hbm4b:s5+s11], $0x4000, s12, s11, $0x38;
	[tilespmem:$0x8400] =	vst v63  }
0x14: {  	_ =	swait.ge [sflag:s10], $0x4000  }
0x15: {  	[sflag:s10] =	ssyncset.done $0x0  }
0x16: {  	[sflag:s10] =	ssyncadd.s32 $0xFFFFC000  }
0x17: {  	[tilespmem:s11], [sflag:$0x1] =	stream.indirect.gather [hbm4b:s3+s14], $0x40, s2, s14, $0xb8;
	[tilespmem:$0x8400] =	vst v63  }
0x18: {  	_ = 	snop  }
0x19: {  	[tilespmem:s15], [sflag:$0x1] =	stream.indirect.gather [hbm4b:s3+s14], $0x40, s14, s14, $0xb8;
	[tilespmem:$0x8400] =	vst v63  }
0x1a: {  	_ =	swait.ge [sflag:s16], $0x2000  }
0x1b: {  	[sflag:s16] =	ssyncset.done $0x0  }
0x1c: {  	[sflag:s16] =	ssyncadd.s32 $0xFFFFE000  }
0x1d: {  	s21 =	simm.s32 $0x6100;
	_ =	swait.ge [sflag:s16], $0x2000  }
0x1e: {  	s22 =	simm.s32 $0x8100;
	s23 =	simm.s32 $0x8200;
	[sflag:s16] =	ssyncset.done $0x0  }
0x1f: {  	s24 =	simm.s32 $0x8300;
	s25 =	simm.s32 $0x0;
	[sflag:s16] =	ssyncadd.s32 $0xFFFFE000  }
.LBB2_2:
0x20: {  	v3 =	vld [tilespmem:s21+$0xFFFFE000]  }
0x21: {  	v6 =	vld [tilespmem:s21+$0xFFFFE100]  }
0x22: {  	v8 =	vld [tilespmem:s21+$0xFFFFE200]  }
0x23: {  	v11 =	vld [tilespmem:s21+$0xFFFFE300]  }
0x24: {  	v1 =	vmov s25;
	v14 =	vld [tilespmem:s21+$0xFFFFE400]  }
0x25: {  	v45 =	vld [tilespmem:s21+$0xFFFFE500];
	v1 =	vshll.u32 v1, $0x6  }
0x26: {  	v51 =	vld [tilespmem:s21+$0xFFFFE600];
	v1 =	vor.u32 v0, v1  }
0x27: {  	v56 =	vld [tilespmem:s21+$0xFFFFE700]  }
0x28: {  	v60 =	vld [tilespmem:s21+$0xFFFFE800];
	v2 =	vor.u32 $0x1, v1  }
0x29: {  	v23 =	vld [tilespmem:s21+$0xFFFFEA00];
	v4 =	vor.u32 $0x2, v1  }
0x2a: {  	v26 =	vld [tilespmem:s21+$0xFFFFEB00];
	v7 =	vor.u32 $0x3, v1  }
0x2b: {  	v5 =	vld.idx.msk [tilespmem:v1+s11+$0x0], $0xffff  }
0x2c: {  	v18 =	vld [tilespmem:s21+$0xFFFFE900];
	v9 =	vor.u32 $0x4, v1  }
0x2d: {  	v12 =	vor.u32 $0x5, v1;
	v44 =	vmul.f32 v8, v8;
	v2 =	vld.idx.msk [tilespmem:v2+s11+$0x0], $0xffff  }
0x2e: {  	v15 =	vor.u32 $0x6, v1;
	v55 =	vmul.f32 v14, v14;
	v59 =	vmul.f32 v45, v45;
	v4 =	vld.idx.msk [tilespmem:v4+s11+$0x0], $0xffff  }
0x2f: {  	v48 =	vor.u32 $0x7, v1;
	v22 =	vmul.f32 v56, v56;
	v36 =	vmul.f32 v23, v23;
	v7 =	vld.idx.msk [tilespmem:v7+s11+$0x0], $0xffff  }
0x30: {  	v32 =	vld [tilespmem:s21+$0xFFFFEC00];
	v52 =	vor.u32 $0x8, v1;
	v40 =	vmul.f32 v26, v26;
	v10 =	vmul.f32 v5, v3  }
0x31: {  	v58 =	vor.u32 $0x9, v1;
	v9 =	vld.idx.msk [tilespmem:v9+s11+$0x0], $0xffff;
	v3 =	vmul.f32 v3, v3;
	v5 =	vmul.f32 v5, v5  }
0x32: {  	v19 =	vor.u32 $0xB, v1;
	v47 =	vld.idx.msk [tilespmem:v12+s11+$0x0], $0xffff;
	v13 =	vmul.f32 v2, v6;
	v6 =	vmul.f32 v6, v6  }
0x33: {  	v25 =	vor.u32 $0xC, v1;
	v54 =	vld.idx.msk [tilespmem:v15+s11+$0x0], $0xffff;
	v2 =	vmul.f32 v2, v2;
	v43 =	vmul.f32 v4, v8  }
0x34: {  	v12 =	vld.idx.msk [tilespmem:v48+s11+$0x0], $0xffff;
	v4 =	vmul.f32 v4, v4;
	v49 =	vmul.f32 v7, v11  }
0x35: {  	v62 =	vld.idx.msk [tilespmem:v52+s11+$0x0], $0xffff;
	v11 =	vmul.f32 v11, v11;
	v50 =	vmul.f32 v7, v7  }
0x36: {  	v21 =	vld.idx.msk [tilespmem:v58+s11+$0x0], $0xffff;
	v53 =	vmul.f32 v9, v14;
	v9 =	vmul.f32 v9, v9  }
0x37: {  	v63 =	vor.u32 $0xA, v1;
	v28 =	vld.idx.msk [tilespmem:v19+s11+$0x0], $0xffff;
	v57 =	vmul.f32 v47, v45;
	v61 =	vmul.f32 v47, v47  }
0x38: {  	v35 =	vld.idx.msk [tilespmem:v25+s11+$0x0], $0xffff;
	v48 =	vor.u32 $0x11, v1;
	v16 =	vmul.f32 v54, v51;
	v7 =	vmul.f32 v51, v51  }
0x39: {  	v37 =	vld [tilespmem:s21+$0xFFFFED00];
	v29 =	vor.u32 $0xD, v1;
	v17 =	vmul.f32 v54, v54;
	v20 =	vmul.f32 v12, v56  }
0x3a: {  	v33 =	vor.u32 $0xE, v1;
	v52 =	vld [tilespmem:s21+$0xFFFFF000];
	v12 =	vmul.f32 v12, v12;
	v24 =	vmul.f32 v62, v60  }
0x3b: {  	v39 =	vor.u32 $0xF, v1;
	v27 =	vmul.f32 v62, v62;
	v30 =	vmul.f32 v21, v18  }
0x3c: {  	v31 =	vmul.f32 v21, v21;
	v38 =	vmul.f32 v28, v26;
	v56 =	vld [tilespmem:s21+$0xFFFFF100];
	v10 =	vadd.f32 $0.0e+00, v10  }
0x3d: {  	v42 =	vmul.f32 v28, v28;
	v45 =	vmul.f32 v35, v32;
	v58 =	vld.idx.msk [tilespmem:v48+s11+$0x0], $0xffff;
	v3 =	vadd.f32 v6, v3  }
0x3e: {  	v41 =	vld [tilespmem:s21+$0xFFFFEE00];
	v51 =	vmul.f32 v37, v37;
	v2 =	vadd.f32 v2, v5;
	v10 =	vadd.f32 v13, v10  }
0x3f: {  	v47 =	vld [tilespmem:s21+$0xFFFFEF00];
	v54 =	vor.u32 $0x12, v1;
	v19 =	vmul.f32 v52, v52;
	v3 =	vadd.f32 v44, v3  }
0x40: {  	v6 =	vmul.f32 v60, v60;
	v2 =	vadd.f32 v4, v2;
	v46 =	vadd.f32 v43, v10;
	v10 =	vld.idx.msk [tilespmem:v63+s11+$0x0], $0xffff  }
0x41: {  	v44 =	vor.u32 $0x10, v1;
	v43 =	vld.idx.msk [tilespmem:v33+s11+$0x0], $0xffff;
	v63 =	vor.u32 $0x14, v1;
	v3 =	vadd.f32 v11, v3  }
0x42: {  	v21 =	vmul.f32 v58, v56;
	v25 =	vmul.f32 v58, v58;
	v2 =	vadd.f32 v50, v2;
	v50 =	vld.idx.msk [tilespmem:v39+s11+$0x0], $0xffff  }
0x43: {  	v11 =	vmul.f32 v18, v18;
	v5 =	vadd.f32 v49, v46;
	v3 =	vadd.f32 v55, v3  }
0x44: {  	v62 =	vld [tilespmem:s21+$0xFFFFF200];
	v46 =	vmul.f32 v35, v35;
	v2 =	vadd.f32 v9, v2;
	v55 =	vmul.f32 v41, v41  }
0x45: {  	v18 =	vld.idx.msk [tilespmem:v54+s11+$0x0], $0xffff;
	v5 =	vadd.f32 v53, v5;
	v3 =	vadd.f32 v59, v3;
	v34 =	vmul.f32 v10, v23  }
0x46: {  	v2 =	vadd.f32 v61, v2;
	v10 =	vmul.f32 v10, v10;
	v53 =	vmul.f32 v43, v41  }
0x47: {  	v59 =	vor.u32 $0x13, v1;
	v5 =	vadd.f32 v57, v5;
	v60 =	vmul.f32 v50, v47  }
0x48: {  	v61 =	vmul.f32 v50, v50;
	v50 =	vld [tilespmem:s21+$0xFFFFF900];
	v3 =	vadd.f32 v7, v3;
	v2 =	vadd.f32 v17, v2  }
0x49: {  	v23 =	vmul.f32 v56, v56;
	v57 =	vmul.f32 v43, v43;
	v4 =	vadd.f32 v16, v5  }
0x4a: {  	v28 =	vmul.f32 v18, v62;
	v3 =	vadd.f32 v22, v3;
	v2 =	vadd.f32 v12, v2;
	v12 =	vld.idx.msk [tilespmem:v29+s11+$0x0], $0xffff  }
0x4b: {  	v54 =	vld [tilespmem:s21+$0xFFFFFA00];
	v7 =	vmul.f32 v32, v32;
	v22 =	vor.u32 $0x15, v1;
	v4 =	vadd.f32 v20, v4  }
0x4c: {  	v26 =	vld.idx.msk [tilespmem:v63+s11+$0x0], $0xffff;
	v29 =	vmul.f32 v18, v18;
	v3 =	vadd.f32 v6, v3;
	v2 =	vadd.f32 v27, v2  }
0x4d: {  	v20 =	vld [tilespmem:s21+$0xFFFFF300];
	v27 =	vor.u32 $0x16, v1;
	v18 =	vmul.f32 v50, v50;
	v4 =	vadd.f32 v24, v4  }
0x4e: {  	v24 =	vld [tilespmem:s21+$0xFFFFF400];
	v3 =	vadd.f32 v11, v3;
	v2 =	vadd.f32 v31, v2;
	v11 =	vmul.f32 v47, v47  }
0x4f: {  	v31 =	vor.u32 $0x17, v1;
	v4 =	vadd.f32 v30, v4;
	v49 =	vmul.f32 v12, v37  }
0x50: {  	v12 =	vmul.f32 v12, v12;
	v30 =	vld [tilespmem:s21+$0xFFFFF500];
	v3 =	vadd.f32 v36, v3;
	v2 =	vadd.f32 v10, v2  }
0x51: {  	v33 =	vld.idx.msk [tilespmem:v22+s11+$0x0], $0xffff;
	v37 =	vor.u32 $0x18, v1;
	v22 =	vmul.f32 v54, v54;
	v4 =	vadd.f32 v34, v4  }
0x52: {  	v10 =	vld.idx.msk [tilespmem:v44+s11+$0x0], $0xffff;
	v34 =	vmul.f32 v20, v20;
	v3 =	vadd.f32 v40, v3;
	v2 =	vadd.f32 v42, v2  }
0x53: {  	v39 =	vld [tilespmem:s21+$0xFFFFF700];
	v36 =	vmul.f32 v26, v24;
	v40 =	vmul.f32 v26, v26;
	v42 =	vor.u32 $0x19, v1  }
0x54: {  	v35 =	vld [tilespmem:s21+$0xFFFFF600];
	v26 =	vor.u32 $0x1F, v1;
	v4 =	vadd.f32 v38, v4;
	v38 =	vmul.f32 v24, v24  }
0x55: {  	v41 =	vld.idx.msk [tilespmem:v31+s11+$0x0], $0xffff;
	v3 =	vadd.f32 v7, v3;
	v2 =	vadd.f32 v46, v2;
	v7 =	vmul.f32 v62, v62  }
0x56: {  	v43 =	vmul.f32 v33, v30;
	v44 =	vmul.f32 v33, v33;
	v46 =	vor.u32 $0x1A, v1  }
0x57: {  	v48 =	vld.idx.msk [tilespmem:v37+s11+$0x0], $0xffff;
	v4 =	vadd.f32 v45, v4;
	v17 =	vmul.f32 v10, v52;
	v3 =	vadd.f32 v51, v3  }
0x58: {  	v10 =	vmul.f32 v10, v10;
	v45 =	vld [tilespmem:s21+$0xFFFFF800];
	v52 =	vor.u32 $0x1B, v1;
	v2 =	vadd.f32 v12, v2  }
0x59: {  	v4 =	vadd.f32 v49, v4;
	v49 =	vmul.f32 v35, v35;
	v3 =	vadd.f32 v55, v3  }
0x5a: {  	v12 =	vld.idx.msk [tilespmem:v59+s11+$0x0], $0xffff;
	v2 =	vadd.f32 v57, v2;
	v51 =	vmul.f32 v41, v39;
	v55 =	vmul.f32 v41, v41  }
0x5b: {  	v57 =	vor.u32 $0x1C, v1;
	v41 =	vor.u32 $0x22, v1;
	v4 =	vadd.f32 v53, v4  }
0x5c: {  	v53 =	vmul.f32 v39, v39;
	v56 =	vld.idx.msk [tilespmem:v46+s11+$0x0], $0xffff;
	v59 =	vmul.f32 v48, v48;
	v3 =	vadd.f32 v11, v3  }
0x5d: {  	v2 =	vadd.f32 v61, v2;
	v11 =	vmul.f32 v30, v30;
	v58 =	vmul.f32 v48, v45;
	v63 =	vld.idx.msk [tilespmem:v52+s11+$0x0], $0xffff  }
0x5e: {  	v61 =	vor.u32 $0x1D, v1;
	v4 =	vadd.f32 v60, v4;
	v60 =	vld [tilespmem:s21+$0xFFFFFB00];
	v3 =	vadd.f32 v19, v3  }
0x5f: {  	v30 =	vor.u32 $0x20, v1;
	v32 =	vmul.f32 v12, v20;
	v2 =	vadd.f32 v10, v2;
	v10 =	vld.idx.msk [tilespmem:v27+s11+$0x0], $0xffff  }
0x60: {  	v12 =	vmul.f32 v12, v12;
	v4 =	vadd.f32 v17, v4;
	v3 =	vadd.f32 v23, v3  }
0x61: {  	v19 =	vld [tilespmem:s21+$0xFFFFFC00];
	v2 =	vadd.f32 v25, v2;
	v20 =	vmul.f32 v56, v54;
	v24 =	vmul.f32 v56, v56  }
0x62: {  	v23 =	vld [tilespmem:s21+$0xFFFFFD00];
	v56 =	vor.u32 $0x25, v1;
	v4 =	vadd.f32 v21, v4;
	v21 =	vor.u32 $0x1E, v1  }
0x63: {  	v25 =	vld.idx.msk [tilespmem:v61+s11+$0x0], $0xffff;
	v3 =	vadd.f32 v7, v3;
	v2 =	vadd.f32 v29, v2;
	v7 =	vmul.f32 v45, v45  }
0x64: {  	v27 =	vmul.f32 v63, v60;
	v29 =	vld [tilespmem:s21+$0xFFFFFE00];
	v4 =	vadd.f32 v28, v4;
	v47 =	vmul.f32 v10, v35  }
0x65: {  	v10 =	vmul.f32 v10, v10;
	v3 =	vadd.f32 v34, v3;
	v2 =	vadd.f32 v12, v2;
	v12 =	vld.idx.msk [tilespmem:v42+s11+$0x0], $0xffff  }
0x66: {  	v45 =	vor.u32 $0x23, v1;
	v28 =	vmul.f32 v63, v63;
	v33 =	vmul.f32 v19, v19;
	v34 =	vld [tilespmem:s21+$0xFFFFFF00]  }
0x67: {  	v4 =	vadd.f32 v32, v4;
	v37 =	vmul.f32 v23, v23;
	v3 =	vadd.f32 v38, v3;
	v32 =	vld.idx.msk [tilespmem:v21+s11+$0x0], $0xffff  }
0x68: {  	v2 =	vadd.f32 v40, v2;
	v35 =	vmul.f32 v25, v23;
	v38 =	vld [tilespmem:s21+$0x0];
	v39 =	vmul.f32 v25, v25  }
0x69: {  	v40 =	vld.idx.msk [tilespmem:v30+s11+$0x0], $0xffff;
	v25 =	vor.u32 $0x28, v1;
	v4 =	vadd.f32 v36, v4;
	v36 =	vor.u32 $0x21, v1  }
0x6a: {  	v3 =	vadd.f32 v11, v3;
	v2 =	vadd.f32 v44, v2;
	v11 =	vmul.f32 v60, v60  }
0x6b: {  	v44 =	vld [tilespmem:s21+$0x100];
	v60 =	vor.u32 $0x26, v1;
	v4 =	vadd.f32 v43, v4;
	v62 =	vmul.f32 v12, v50  }
0x6c: {  	v12 =	vmul.f32 v12, v12;
	v48 =	vmul.f32 v34, v34;
	v2 =	vadd.f32 v10, v2;
	v10 =	vld.idx.msk [tilespmem:v57+s11+$0x0], $0xffff  }
0x6d: {  	v3 =	vadd.f32 v49, v3;
	v49 =	vld [tilespmem:s21+$0x200];
	v42 =	vmul.f32 v32, v29;
	v43 =	vmul.f32 v32, v32  }
0x6e: {  	v4 =	vadd.f32 v47, v4;
	v50 =	vmul.f32 v40, v38;
	v52 =	vmul.f32 v38, v38;
	v47 =	vld.idx.msk [tilespmem:v36+s11+$0x0], $0xffff  }
0x6f: {  	v54 =	vmul.f32 v40, v40;
	v3 =	vadd.f32 v53, v3;
	v2 =	vadd.f32 v55, v2;
	v53 =	vld [tilespmem:s21+$0x300]  }
0x70: {  	v40 =	vor.u32 $0x2B, v1;
	v55 =	vld.idx.msk [tilespmem:v45+s11+$0x0], $0xffff;
	v4 =	vadd.f32 v51, v4;
	v51 =	vor.u32 $0x24, v1  }
0x71: {  	v3 =	vadd.f32 v7, v3;
	v2 =	vadd.f32 v59, v2;
	v7 =	vmul.f32 v29, v29  }
0x72: {  	v59 =	vld [tilespmem:s21+$0x400];
	v29 =	vor.u32 $0x29, v1;
	v4 =	vadd.f32 v58, v4;
	v31 =	vmul.f32 v10, v19  }
0x73: {  	v10 =	vmul.f32 v10, v10;
	v3 =	vadd.f32 v18, v3;
	v2 =	vadd.f32 v12, v2;
	v12 =	vld.idx.msk [tilespmem:v26+s11+$0x0], $0xffff  }
0x74: {  	v63 =	vmul.f32 v49, v49;
	v18 =	vld [tilespmem:s21+$0x500];
	v4 =	vadd.f32 v62, v4;
	v57 =	vmul.f32 v47, v44  }
0x75: {  	v58 =	vmul.f32 v47, v47;
	v19 =	vmul.f32 v55, v53;
	v3 =	vadd.f32 v22, v3;
	v62 =	vld.idx.msk [tilespmem:v51+s11+$0x0], $0xffff  }
0x76: {  	v21 =	vmul.f32 v53, v53;
	v2 =	vadd.f32 v24, v2;
	v22 =	vld [tilespmem:s21+$0x600];
	v4 =	vadd.f32 v20, v4  }
0x77: {  	v23 =	vmul.f32 v55, v55;
	v55 =	vor.u32 $0x2E, v1;
	v24 =	vld.idx.msk [tilespmem:v60+s11+$0x0], $0xffff;
	v3 =	vadd.f32 v11, v3  }
0x78: {  	v20 =	vor.u32 $0x27, v1;
	v2 =	vadd.f32 v28, v2;
	v4 =	vadd.f32 v27, v4  }
0x79: {  	v11 =	vmul.f32 v44, v44;
	v44 =	vor.u32 $0x2C, v1;
	v46 =	vmul.f32 v12, v34  }
0x7a: {  	v28 =	vld [tilespmem:s21+$0x700];
	v12 =	vmul.f32 v12, v12;
	v32 =	vmul.f32 v18, v18;
	v4 =	vadd.f32 v31, v4  }
0x7b: {  	v3 =	vadd.f32 v33, v3;
	v2 =	vadd.f32 v10, v2;
	v10 =	vld.idx.msk [tilespmem:v41+s11+$0x0], $0xffff;
	v26 =	vmul.f32 v62, v59  }
0x7c: {  	v33 =	vld [tilespmem:s21+$0x800];
	v27 =	vmul.f32 v62, v62;
	v34 =	vmul.f32 v24, v22;
	v4 =	vadd.f32 v35, v4  }
0x7d: {  	v36 =	vmul.f32 v22, v22;
	v3 =	vadd.f32 v37, v3;
	v2 =	vadd.f32 v39, v2;
	v31 =	vld.idx.msk [tilespmem:v20+s11+$0x0], $0xffff  }
0x7e: {  	v38 =	vmul.f32 v24, v24;
	v24 =	vor.u32 $0x31, v1;
	v37 =	vld [tilespmem:s21+$0x900];
	v4 =	vadd.f32 v42, v4  }
0x7f: {  	v39 =	vld.idx.msk [tilespmem:v29+s11+$0x0], $0xffff;
	v35 =	vor.u32 $0x2A, v1;
	v3 =	vadd.f32 v7, v3;
	v2 =	vadd.f32 v43, v2  }
0x80: {  	v7 =	vmul.f32 v59, v59;
	v59 =	vor.u32 $0x2F, v1;
	v4 =	vadd.f32 v46, v4  }
0x81: {  	v61 =	vmul.f32 v10, v49;
	v10 =	vmul.f32 v10, v10;
	v3 =	vadd.f32 v48, v3  }
0x82: {  	v43 =	vld [tilespmem:s21+$0xA00];
	v47 =	vmul.f32 v33, v33;
	v2 =	vadd.f32 v12, v2;
	v4 =	vadd.f32 v50, v4  }
0x83: {  	v12 =	vld.idx.msk [tilespmem:v56+s11+$0x0], $0xffff;
	v41 =	vmul.f32 v31, v28;
	v42 =	vmul.f32 v31, v31;
	v3 =	vadd.f32 v52, v3  }
0x84: {  	v48 =	vld [tilespmem:s21+$0xB00];
	v49 =	vmul.f32 v39, v37;
	v2 =	vadd.f32 v54, v2;
	v4 =	vadd.f32 v57, v4  }
0x85: {  	v51 =	vmul.f32 v37, v37;
	v53 =	vmul.f32 v39, v39;
	v46 =	vld.idx.msk [tilespmem:v35+s11+$0x0], $0xffff;
	v3 =	vadd.f32 v11, v3  }
0x86: {  	v39 =	vor.u32 $0x34, v1;
	v52 =	vld [tilespmem:s21+$0xC00];
	v2 =	vadd.f32 v58, v2;
	v4 =	vadd.f32 v61, v4  }
0x87: {  	v54 =	vld.idx.msk [tilespmem:v44+s11+$0x0], $0xffff;
	v50 =	vor.u32 $0x2D, v1;
	v11 =	vmul.f32 v28, v28;
	v3 =	vadd.f32 v63, v3  }
0x88: {  	v28 =	vor.u32 $0x32, v1;
	v2 =	vadd.f32 v10, v2;
	v4 =	vadd.f32 v19, v4  }
0x89: {  	v30 =	vmul.f32 v12, v18;
	v12 =	vmul.f32 v12, v12;
	v3 =	vadd.f32 v21, v3  }
0x8a: {  	v58 =	vld [tilespmem:s21+$0xD00];
	v62 =	vmul.f32 v48, v48;
	v2 =	vadd.f32 v23, v2;
	v4 =	vadd.f32 v26, v4  }
0x8b: {  	v10 =	vld.idx.msk [tilespmem:v25+s11+$0x0], $0xffff;
	v56 =	vmul.f32 v46, v43;
	v57 =	vmul.f32 v46, v46;
	v3 =	vadd.f32 v7, v3  }
0x8c: {  	v63 =	vld [tilespmem:s21+$0xE00];
	v18 =	vmul.f32 v54, v52;
	v2 =	vadd.f32 v27, v2;
	v4 =	vadd.f32 v30, v4  }
0x8d: {  	v20 =	vmul.f32 v52, v52;
	v22 =	vmul.f32 v54, v54;
	v61 =	vld.idx.msk [tilespmem:v50+s11+$0x0], $0xffff;
	v3 =	vadd.f32 v32, v3  }
0x8e: {  	v54 =	vor.u32 $0x37, v1;
	v21 =	vld [tilespmem:s21+$0xF00];
	v2 =	vadd.f32 v12, v2;
	v4 =	vadd.f32 v34, v4  }
0x8f: {  	v23 =	vld.idx.msk [tilespmem:v59+s11+$0x0], $0xffff;
	v19 =	vor.u32 $0x30, v1;
	v7 =	vmul.f32 v43, v43;
	v3 =	vadd.f32 v36, v3  }
0x90: {  	v45 =	vmul.f32 v10, v33;
	v2 =	vadd.f32 v38, v2;
	v4 =	vadd.f32 v41, v4  }
0x91: {  	v43 =	vor.u32 $0x35, v1;
	v10 =	vmul.f32 v10, v10;
	v12 =	vld.idx.msk [tilespmem:v40+s11+$0x0], $0xffff;
	v3 =	vadd.f32 v11, v3  }
0x92: {  	v31 =	vmul.f32 v63, v63;
	v2 =	vadd.f32 v42, v2;
	v4 =	vadd.f32 v45, v4  }
0x93: {  	v27 =	vld [tilespmem:s21+$0x1000];
	v25 =	vmul.f32 v61, v58;
	v26 =	vmul.f32 v61, v61;
	v3 =	vadd.f32 v47, v3  }
0x94: {  	v32 =	vld [tilespmem:s21+$0x1100];
	v33 =	vmul.f32 v23, v21;
	v2 =	vadd.f32 v10, v2;
	v4 =	vadd.f32 v49, v4  }
0x95: {  	v35 =	vmul.f32 v21, v21;
	v37 =	vmul.f32 v23, v23;
	v30 =	vld.idx.msk [tilespmem:v19+s11+$0x0], $0xffff;
	v3 =	vadd.f32 v51, v3  }
0x96: {  	v36 =	vld [tilespmem:s21+$0x1200];
	v60 =	vmul.f32 v12, v48;
	v2 =	vadd.f32 v53, v2;
	v4 =	vadd.f32 v56, v4  }
0x97: {  	v23 =	vor.u32 $0x3A, v1;
	v34 =	vor.u32 $0x33, v1;
	v10 =	vld.idx.msk [tilespmem:v55+s11+$0x0], $0xffff;
	v3 =	vadd.f32 v7, v3  }
0x98: {  	v38 =	vld.idx.msk [tilespmem:v28+s11+$0x0], $0xffff;
	v12 =	vmul.f32 v12, v12;
	v2 =	vadd.f32 v57, v2;
	v4 =	vadd.f32 v60, v4  }
0x99: {  	v11 =	vmul.f32 v58, v58;
	v58 =	vor.u32 $0x38, v1;
	v3 =	vadd.f32 v62, v3  }
0x9a: {  	v46 =	vmul.f32 v32, v32;
	v2 =	vadd.f32 v12, v2;
	v4 =	vadd.f32 v18, v4  }
0x9b: {  	v42 =	vld [tilespmem:s21+$0x1300];
	v40 =	vmul.f32 v30, v27;
	v41 =	vmul.f32 v30, v30;
	v3 =	vadd.f32 v20, v3  }
0x9c: {  	v47 =	vld [tilespmem:s21+$0x1400];
	v29 =	vmul.f32 v10, v63;
	v2 =	vadd.f32 v22, v2;
	v4 =	vadd.f32 v25, v4  }
0x9d: {  	v48 =	vmul.f32 v38, v36;
	v50 =	vmul.f32 v36, v36;
	v12 =	vld.idx.msk [tilespmem:v24+s11+$0x0], $0xffff;
	v3 =	vadd.f32 v11, v3  }
0x9e: {  	v45 =	vld.idx.msk [tilespmem:v34+s11+$0x0], $0xffff;
	v10 =	vmul.f32 v10, v10;
	v2 =	vadd.f32 v26, v2;
	v4 =	vadd.f32 v29, v4  }
0x9f: {  	v52 =	vmul.f32 v38, v38;
	v38 =	vor.u32 $0x3D, v1;
	v51 =	vld [tilespmem:s21+$0x1500];
	v3 =	vadd.f32 v31, v3  }
0xa0: {  	v53 =	vld.idx.msk [tilespmem:v43+s11+$0x0], $0xffff;
	v49 =	vor.u32 $0x36, v1;
	v2 =	vadd.f32 v10, v2;
	v4 =	vadd.f32 v33, v4  }
0xa1: {  	v7 =	vmul.f32 v27, v27;
	v27 =	vor.u32 $0x3B, v1;
	v3 =	vadd.f32 v35, v3  }
0xa2: {  	v44 =	vmul.f32 v12, v32;
	v2 =	vadd.f32 v37, v2;
	v4 =	vadd.f32 v40, v4  }
0xa3: {  	v61 =	vmul.f32 v47, v47;
	v55 =	vmul.f32 v45, v42;
	v10 =	vld.idx.msk [tilespmem:v39+s11+$0x0], $0xffff;
	v3 =	vadd.f32 v7, v3  }
0xa4: {  	v57 =	vld [tilespmem:s21+$0x1600];
	v12 =	vmul.f32 v12, v12;
	v2 =	vadd.f32 v41, v2;
	v4 =	vadd.f32 v44, v4  }
0xa5: {  	v62 =	vld [tilespmem:s21+$0x1700];
	v56 =	vmul.f32 v45, v45;
	v63 =	vmul.f32 v53, v51;
	v3 =	vadd.f32 v46, v3  }
0xa6: {  	v19 =	vmul.f32 v51, v51;
	v60 =	vld.idx.msk [tilespmem:v49+s11+$0x0], $0xffff;
	v2 =	vadd.f32 v12, v2;
	v4 =	vadd.f32 v48, v4  }
0xa7: {  	v18 =	vor.u32 $0x39, v1;
	v11 =	vmul.f32 v42, v42;
	v3 =	vadd.f32 v50, v3  }
0xa8: {  	v20 =	vld [tilespmem:s21+$0x1800];
	v59 =	vmul.f32 v10, v47;
	v2 =	vadd.f32 v52, v2;
	v4 =	vadd.f32 v55, v4  }
0xa9: {  	v21 =	vmul.f32 v53, v53;
	v42 =	vor.u32 $0x3E, v1;
	v12 =	vld.idx.msk [tilespmem:v54+s11+$0x0], $0xffff;
	v3 =	vadd.f32 v11, v3  }
0xaa: {  	v22 =	vld.idx.msk [tilespmem:v58+s11+$0x0], $0xffff;
	v10 =	vmul.f32 v10, v10;
	v2 =	vadd.f32 v56, v2;
	v4 =	vadd.f32 v59, v4  }
0xab: {  	v26 =	vld [tilespmem:s21+$0x1900];
	v30 =	vmul.f32 v62, v62;
	v24 =	vmul.f32 v60, v57;
	v3 =	vadd.f32 v61, v3  }
0xac: {  	v31 =	vld [tilespmem:s21+$0x1A00];
	v25 =	vmul.f32 v60, v60;
	v2 =	vadd.f32 v10, v2;
	v4 =	vadd.f32 v63, v4  }
0xad: {  	v29 =	vld.idx.msk [tilespmem:v18+s11+$0x0], $0xffff;
	v33 =	vor.u32 $0x3C, v1;
	v7 =	vmul.f32 v57, v57;
	v3 =	vadd.f32 v19, v3  }
0xae: {  	v35 =	vld [tilespmem:s21+$0x1B00];
	v28 =	vmul.f32 v12, v62;
	v2 =	vadd.f32 v21, v2;
	v4 =	vadd.f32 v24, v4  }
0xaf: {  	v32 =	vmul.f32 v22, v20;
	v34 =	vmul.f32 v20, v20;
	v10 =	vld.idx.msk [tilespmem:v23+s11+$0x0], $0xffff;
	v3 =	vadd.f32 v7, v3  }
0xb0: {  	v37 =	vld.idx.msk [tilespmem:v27+s11+$0x0], $0xffff;
	v12 =	vmul.f32 v12, v12;
	v2 =	vadd.f32 v25, v2;
	v4 =	vadd.f32 v28, v4  }
0xb1: {  	v36 =	vmul.f32 v22, v22;
	v1 =	vor.u32 $0x3F, v1;
	v41 =	vld [tilespmem:s21+$0x1C00];
	v3 =	vadd.f32 v30, v3  }
0xb2: {  	v46 =	vld [tilespmem:s21+$0x1D00];
	v39 =	vmul.f32 v29, v26;
	v2 =	vadd.f32 v12, v2;
	v4 =	vadd.f32 v32, v4  }
0xb3: {  	v40 =	vmul.f32 v29, v29;
	v44 =	vld.idx.msk [tilespmem:v33+s11+$0x0], $0xffff;
	v11 =	vmul.f32 v26, v26;
	v3 =	vadd.f32 v34, v3  }
0xb4: {  	v50 =	vld [tilespmem:s21+$0x1E00];
	v43 =	vmul.f32 v10, v31;
	v2 =	vadd.f32 v36, v2;
	v4 =	vadd.f32 v39, v4  }
0xb5: {  	v45 =	vmul.f32 v31, v31;
	v48 =	vmul.f32 v37, v35;
	v12 =	vld.idx.msk [tilespmem:v38+s11+$0x0], $0xffff;
	v3 =	vadd.f32 v11, v3  }
0xb6: {  	v52 =	vld.idx.msk [tilespmem:v42+s11+$0x0], $0xffff;
	v47 =	vmul.f32 v10, v10;
	v2 =	vadd.f32 v40, v2;
	v4 =	vadd.f32 v43, v4  }
0xb7: {  	v49 =	vmul.f32 v35, v35;
	v51 =	vmul.f32 v37, v37;
	v3 =	vadd.f32 v45, v3  }
0xb8: {  	v54 =	vld [tilespmem:s21+$0x1F00];
	v53 =	vmul.f32 v44, v41;
	v2 =	vadd.f32 v47, v2;
	v4 =	vadd.f32 v48, v4  }
0xb9: {  	v1 =	vld.idx.msk [tilespmem:v1+s11+$0x0], $0xffff;
	v55 =	vmul.f32 v44, v44;
	v7 =	vmul.f32 v41, v41;
	v3 =	vadd.f32 v49, v3  }
0xba: {  	v56 =	vmul.f32 v12, v46;
	v2 =	vadd.f32 v51, v2;
	v4 =	vadd.f32 v53, v4  }
0xbb: {  	v57 =	vmul.f32 v46, v46;
	v59 =	vmul.f32 v52, v50;
	v3 =	vadd.f32 v7, v3  }
0xbc: {  	v58 =	vmul.f32 v12, v12;
	v2 =	vadd.f32 v55, v2;
	v4 =	vadd.f32 v56, v4  }
0xbd: {  	v60 =	vmul.f32 v50, v50;
	v61 =	vmul.f32 v52, v52;
	v3 =	vadd.f32 v57, v3  }
0xbe: {  	v62 =	vmul.f32 v1, v54;
	v2 =	vadd.f32 v58, v2;
	v4 =	vadd.f32 v59, v4  }
0xbf: {  	p0 =	sne.s32 s25, $0xF0;
	v63 =	vmul.f32 v54, v54;
	v3 =	vadd.f32 v60, v3  }
.Ltmp0:
0xc0: {  	v1 =	vmul.f32 v1, v1;
	v2 =	vadd.f32 v61, v2;
	v4 =	vadd.f32 v62, v4;
	(pc) =	sbr.rel @p0 .LBB2_2-.Ltmp0, $4  }
0xc1: {  	v3 =	vadd.f32 v63, v3  }
0xc2: {  	v1 =	vadd.f32 v1, v2;
	[tilespmem:s22+$0x0] =	vst v4  }
0xc3: {  	s25 =	sadd.s32 $0x10, s25;
	s21 =	sadd.s32 $0x10, s21;
	[tilespmem:s23+$0x0] =	vst v3  }
0xc4: {  	s22 =	sadd.s32 $0x10, s22;
	s23 =	sadd.s32 $0x10, s23;
	[tilespmem:s24+$0x0] =	vst v1;
	s24 =	sadd.s32 $0x10, s24  }
0xc5: {  	[hbm4b:s6+s2] =	stream.linear.scatter [tilespmem:s17], [sflag:$0x2], $0x100, $0x38;
	[tilespmem:$0x8400] =	vst v63  }
0xc6: {  	_ =	swait.ge [sflag:s10], $0x100  }
0xc7: {  	[sflag:s10] =	ssyncset.done $0x0  }
0xc8: {  	[sflag:s10] =	ssyncadd.s32 $0xFFFFFF00  }
0xc9: {  	[hbm4b:s7+s2] =	stream.linear.scatter [tilespmem:s18], [sflag:$0x2], $0x100, $0x38;
	[tilespmem:$0x8400] =	vst v63  }
0xca: {  	s20 =	sadd.s32 $0x1, s20;
	_ =	swait.ge [sflag:s10], $0x100  }
0xcb: {  	p0 =	sne.s32 s20, s9;
	[sflag:s10] =	ssyncset.done $0x0  }
.Ltmp1:
0xcc: {  	[sflag:s10] =	ssyncadd.s32 $0xFFFFFF00;
	(pc) =	sbr.rel @p0 .LBB2_1-.Ltmp1, $4  }
0xcd: {  	[hbm4b:s8+s2] =	stream.linear.scatter [tilespmem:s19], [sflag:$0x2], $0x100, $0x38;
	[tilespmem:$0x8400] =	vst v63  }
0xce: {  	_ =	swait.ge [sflag:s10], $0x100  }
0xcf: {  	[sflag:s10] =	ssyncset.done $0x0  }
0xd0: {  	[sflag:s10] =	ssyncadd.s32 $0xFFFFFF00  }
0xd1: {  	_ =	sfence.sel $0x180000  }
0xd2: {  	[bflag:$0x0] =	sbarrier.arrive $0xFFFF  }
0xd3: {  	p0 =	sne.s32 s1, $0x0;
	_ =	strace $0x90000047  }
0xd4: {  	s0 =	sadd.s32 @!p0 $0x100000, s0;
	[bflag:$0x2] =	sbarrier.arrive $0xFFFF  }
0xd5: {  	[sflag:s0] =	ssyncadd.tile.s32 @!p0 $0x1;
	_ =	shalt  }
.Lfunc_end2:
_tile_overlayer_lowered:
.L_overlay_start_2:
0xd6: {  	(tag) =	ssettag $0x2  }
0xd7: {  	s0 =	rddreg [dreg:$0x0];
	s2 =	stileid.u32  }
0xd8: {  	s1 =	rddreg [dreg:$0x1];
	p0 =	sne.s32 s2, $0x0  }
0xd9: {  	s3 =	rddreg [dreg:$0x2];
	[bflag:$0x3] =	sbarrier.arrive $0xFFFF;
	s2 =	simm.s32 @!p0 $0x1C02  }
0xda: {  	[timem:s3], [sflag:s2] =	dma.local @!p0 [hbm:s0], s1  }
0xdb: {  	s0 =	simm.s32 @!p0 $0x2  }
0xdc: {  	_ =	swait.ge @!p0 [sflag:s0], s1  }
0xdd: {  	s1 =	ssub.s32 @!p0 $0x0, s1;
	[sflag:s0] =	ssyncset.done @!p0 $0x0  }
0xde: {  	[sflag:s0] =	ssyncadd.s32 @!p0 s1  }
0xdf: {  	[bflag:$0x3] =	sbarrier.arrive $0xFFFF  }
0xe0: {  	_ =	shalt  }

</sc_bundles>
